<compile_context>
chip_gen: v7x
topology: tpu7x:2x2x1
jax: 0.10.2.dev20260603
libtpu: 0.0.44.dev20260713+nightly
codegen_flags: <defaults>
</compile_context>

<pallas_src>
import dataclasses
import functools

import jax
import jax.numpy as jnp
from jax import lax
from jax.experimental import pallas as pl
from jax.experimental.pallas import tpu as pltpu
from jax.experimental.pallas import tpu_sc as plsc

_ROWS = 16384
_OUT = 64

_TC_ROWS = 11264
_BLK = 1024
_N = _TC_ROWS // _BLK

_SC_ROWS = _ROWS - _TC_ROWS
_NW = 32
_PER_W = _SC_ROWS // _NW
_T = 80
_NT = _PER_W // _T
_RU = 4


def _start(x_hbm, buf, sem, step):
    pltpu.make_async_copy(
        x_hbm.at[pl.ds(step * _BLK, _BLK), pl.ds(128, 384)], buf, sem
    ).start()


def _tc_gather(buf):
    j = jax.lax.broadcasted_iota(jnp.int32, (_BLK, _OUT), 1)
    col = 6 * j
    chunk = col >> 7
    lane = col & 127
    g0 = jnp.take_along_axis(buf[:, 0:128], lane, axis=1)
    g1 = jnp.take_along_axis(buf[:, 128:256], lane, axis=1)
    g2 = jnp.take_along_axis(buf[:, 256:384], lane, axis=1)
    return jnp.where(chunk == 0, g0, jnp.where(chunk == 1, g1, g2))


def _tc_body(x_hbm, o_ref, b0, b1, s0, s1):
    i = pl.program_id(0)

    @pl.when(i == 0)
    def _():
        _start(x_hbm, b0, s0, 0)

    nxt = i + 1

    @pl.when((nxt < _N) & (nxt % 2 == 0))
    def _():
        _start(x_hbm, b0, s0, nxt)

    @pl.when((nxt < _N) & (nxt % 2 == 1))
    def _():
        _start(x_hbm, b1, s1, nxt)

    @pl.when(i % 2 == 0)
    def _():
        pltpu.make_async_copy(
            x_hbm.at[pl.ds(i * _BLK, _BLK), pl.ds(128, 384)], b0, s0
        ).wait()
        o_ref[...] = _tc_gather(b0)

    @pl.when(i % 2 == 1)
    def _():
        pltpu.make_async_copy(
            x_hbm.at[pl.ds(i * _BLK, _BLK), pl.ds(128, 384)], b1, s1
        ).wait()
        o_ref[...] = _tc_gather(b1)


def _tc_index_select(x):
    return pl.pallas_call(
        _tc_body,
        grid=(_N,),
        in_specs=[pl.BlockSpec(memory_space=pl.ANY)],
        out_specs=pl.BlockSpec((_BLK, _OUT), lambda i: (i, 0)),
        out_shape=jax.ShapeDtypeStruct((_ROWS, _OUT), jnp.float32),
        scratch_shapes=[
            pltpu.VMEM((_BLK, 384), jnp.float32),
            pltpu.VMEM((_BLK, 384), jnp.float32),
            pltpu.SemaphoreType.DMA,
            pltpu.SemaphoreType.DMA,
        ],
    )(x)


def _sc_index_select(x):
    mesh = plsc.VectorSubcoreMesh(core_axis_name="c", subcore_axis_name="s")
    cp = pltpu.CompilerParams()
    if "needs_layout_passes" in pltpu.CompilerParams.__dataclass_fields__:
        cp = dataclasses.replace(cp, needs_layout_passes=False)

    @functools.partial(
        pl.kernel,
        mesh=mesh,
        compiler_params=cp,
        out_type=jax.ShapeDtypeStruct((_SC_ROWS, _OUT), jnp.float32),
        scratch_types=[
            pltpu.VMEM((_T, 384), jnp.float32),
            pltpu.VMEM((_T, 384), jnp.float32),
            pltpu.VMEM((_T, _OUT), jnp.float32),
            pltpu.VMEM((_T, _OUT), jnp.float32),
            pltpu.SemaphoreType.DMA,
            pltpu.SemaphoreType.DMA,
            pltpu.SemaphoreType.DMA,
            pltpu.SemaphoreType.DMA,
        ],
    )
    def k(x_hbm, o_hbm, iv0, iv1, ov0, ov1, is0, is1, os0, os1):
        wid = lax.axis_index("s") * 2 + lax.axis_index("c")
        base = wid * _PER_W
        lane = lax.iota(jnp.int32, 16)
        zero = lane * 0
        cols = [6 * lane + (96 * g) for g in range(4)]
        ivs, iss = (iv0, iv1), (is0, is1)
        ovs, oss = (ov0, ov1), (os0, os1)

        def in_cp(t):
            return pltpu.make_async_copy(
                x_hbm.at[pl.ds(_TC_ROWS + base + t * _T, _T), pl.ds(128, 384)],
                ivs[t % 2], iss[t % 2])

        def out_cp(t):
            return pltpu.make_async_copy(
                ovs[t % 2], o_hbm.at[pl.ds(base + t * _T, _T), :],
                oss[t % 2])

        in_cp(0).start()
        for t in range(_NT):
            if t + 1 < _NT:
                in_cp(t + 1).start()
            in_cp(t).wait()
            if t >= 2:
                out_cp(t - 2).wait()
            in_v, out_v = ivs[t % 2], ovs[t % 2]

            @pl.loop(0, _T, step=_RU)
            def _(r0):
                for dr in range(_RU):
                    rvec = zero + (r0 + dr)
                    for g in range(4):
                        vals = plsc.load_gather(in_v, [rvec, cols[g]])
                        out_v[r0 + dr, pl.ds(g * 16, 16)] = vals

            out_cp(t).start()
        for t in range(max(0, _NT - 2), _NT):
            out_cp(t).wait()

    return k(x)


def kernel(x, obs):
    del obs
    tc_full = _tc_index_select(x)
    sc_part = _sc_index_select(x)
    return lax.dynamic_update_slice(tc_full, sc_part, (_TC_ROWS, 0))

# --- scband reference (transcript-rebuilt; emitter-appended) ---
"""Pipeline reference for scband-index-select-28295244546406 (READ-ONLY COPY).

The authoritative reference and input builder live on the scoring server;
editing this copy changes nothing except your own understanding.
"""

import jax, jax.numpy as jnp
import numpy as np

INDICES = jnp.array([0, 6, 12, 18, 24, 30, 36, 42, 48, 54, 60, 66, 72, 78, 84, 90, 96, 102, 108, 114, 120, 126, 132, 138, 144, 150, 156, 162, 168, 174, 180, 186, 192, 198, 204, 210, 216, 222, 228, 234, 240, 246, 252, 258, 264, 270, 276, 282, 288, 294, 300, 306, 312, 318, 324, 330, 336, 342, 348, 354, 360, 366, 372, 378], dtype=jnp.int32)
BASE_STATE_LEN = 128


def setup_inputs(seed: int = 0) -> dict:
    key = jax.random.key(seed)
    k1, k2 = jax.random.split(key)
    x = jax.random.normal(k1, (16384, 512), dtype=jnp.float32)
    obs = jax.random.normal(k2, (16384, 512), dtype=jnp.float32)
    return {"x": x, "obs": obs}


def reference(x, obs):
    # get_joint_pos_vel: slice off base state on last dim
    xs = x[..., BASE_STATE_LEN:]
    # index_select on last dim -> gather
    out = jnp.take(xs, INDICES, axis=-1)
    return out

if __name__ == "__main__":
    import jax
    _d = setup_inputs()
    print(jax.jit(kernel)(*tuple(_d.values())))

</pallas_src>

<mosaic_0001>
#map = affine_map<(d0, d1) -> (0, 0)>
module attributes {stable_mosaic.version = 14 : i64} {
  func.func @k(%arg0: i32, %arg1: i32, %arg2: memref<16384x512xf32, #tpu.memory_space<hbm>>, %arg3: memref<5120x64xf32, #tpu.memory_space<hbm>>, %arg4: memref<80x384xf32, #tpu.memory_space<vmem>>, %arg5: memref<80x384xf32, #tpu.memory_space<vmem>>, %arg6: memref<80x64xf32, #tpu.memory_space<vmem>>, %arg7: memref<80x64xf32, #tpu.memory_space<vmem>>, %arg8: memref<!tpu.dma_semaphore, #tpu.memory_space<semaphore_mem>>, %arg9: memref<!tpu.dma_semaphore, #tpu.memory_space<semaphore_mem>>, %arg10: memref<!tpu.dma_semaphore, #tpu.memory_space<semaphore_mem>>, %arg11: memref<!tpu.dma_semaphore, #tpu.memory_space<semaphore_mem>>) attributes {dimension_semantics = [#tpu.dimension_semantics<core_parallel>, #tpu.dimension_semantics<subcore_parallel>], iteration_bounds = array<i64: 2, 16>, scalar_prefetch = 0 : i64, scratch_operands = 8 : i64, tpu.core_type = #tpu.core_type<sc_vector_subcore>, window_params = [{transform_indices = #map}, {transform_indices = #map}]} {
    %mul3A = arith.constant 2 : i32
    %mul3A_0 = arith.muli %arg1, %mul3A : i32
    %add3A = arith.addi %mul3A_0, %arg0 : i32
    %mul3A_1 = arith.constant 160 : i32
    %mul3A_2 = arith.muli %add3A, %mul3A_1 : i32
    %iota3A = tpu.iota {dimensions = array<i32: 0>} : vector<16xi32>
    %mul3A_3 = arith.constant 0 : i32
    %mul3A_4 = vector.broadcast %mul3A_3 : i32 to vector<16xi32>
    %mul3A_5 = arith.muli %iota3A, %mul3A_4 : vector<16xi32>
    %mul3A_6 = arith.constant 6 : i32
    %mul3A_7 = vector.broadcast %mul3A_6 : i32 to vector<16xi32>
    %mul3A_8 = arith.muli %mul3A_7, %iota3A : vector<16xi32>
    %add3A_9 = arith.constant 0 : i32
    %add3A_10 = vector.broadcast %add3A_9 : i32 to vector<16xi32>
    %add3A_11 = arith.addi %mul3A_8, %add3A_10 : vector<16xi32>
    %mul3A_12 = arith.constant 6 : i32
    %mul3A_13 = vector.broadcast %mul3A_12 : i32 to vector<16xi32>
    %mul3A_14 = arith.muli %mul3A_13, %iota3A : vector<16xi32>
    %add3A_15 = arith.constant 96 : i32
    %add3A_16 = vector.broadcast %add3A_15 : i32 to vector<16xi32>
    %add3A_17 = arith.addi %mul3A_14, %add3A_16 : vector<16xi32>
    %mul3A_18 = arith.constant 6 : i32
    %mul3A_19 = vector.broadcast %mul3A_18 : i32 to vector<16xi32>
    %mul3A_20 = arith.muli %mul3A_19, %iota3A : vector<16xi32>
    %add3A_21 = arith.constant 192 : i32
    %add3A_22 = vector.broadcast %add3A_21 : i32 to vector<16xi32>
    %add3A_23 = arith.addi %mul3A_20, %add3A_22 : vector<16xi32>
    %mul3A_24 = arith.constant 6 : i32
    %mul3A_25 = vector.broadcast %mul3A_24 : i32 to vector<16xi32>
    %mul3A_26 = arith.muli %mul3A_25, %iota3A : vector<16xi32>
    %add3A_27 = arith.constant 288 : i32
    %add3A_28 = vector.broadcast %add3A_27 : i32 to vector<16xi32>
    %add3A_29 = arith.addi %mul3A_26, %add3A_28 : vector<16xi32>
    %add3A_30 = arith.constant 11264 : i32
    %add3A_31 = arith.addi %add3A_30, %mul3A_2 : i32
    %add3A_32 = arith.constant 0 : i32
    %add3A_33 = arith.addi %add3A_31, %add3A_32 : i32
    %dma_start3A = arith.constant 128 : i32
    %dma_start3A_34 = tpu.memref_slice %arg2[%add3A_33, %dma_start3A] : memref<16384x512xf32, #tpu.memory_space<hbm>> -> memref<80x384xf32, #tpu.memory_space<hbm>>
    %dma_start3A_35 = arith.constant 128 : i32
    %dma_start3A_36 = tpu.memref_slice %arg2[%add3A_33, %dma_start3A_35] : memref<16384x512xf32, #tpu.memory_space<hbm>> -> memref<80x384xf32, #tpu.memory_space<hbm>>
    tpu.enqueue_dma source(%dma_start3A_36 : memref<80x384xf32, #tpu.memory_space<hbm>>) target(%arg4 : memref<80x384xf32, #tpu.memory_space<vmem>>) target_semaphore(%arg8 : memref<!tpu.dma_semaphore, #tpu.memory_space<semaphore_mem>>)
    %add3A_37 = arith.constant 11264 : i32
    %add3A_38 = arith.addi %add3A_37, %mul3A_2 : i32
    %add3A_39 = arith.constant 80 : i32
    %add3A_40 = arith.addi %add3A_38, %add3A_39 : i32
    %dma_start3A_41 = arith.constant 128 : i32
    %dma_start3A_42 = tpu.memref_slice %arg2[%add3A_40, %dma_start3A_41] : memref<16384x512xf32, #tpu.memory_space<hbm>> -> memref<80x384xf32, #tpu.memory_space<hbm>>
    %dma_start3A_43 = arith.constant 128 : i32
    %dma_start3A_44 = tpu.memref_slice %arg2[%add3A_40, %dma_start3A_43] : memref<16384x512xf32, #tpu.memory_space<hbm>> -> memref<80x384xf32, #tpu.memory_space<hbm>>
    tpu.enqueue_dma source(%dma_start3A_44 : memref<80x384xf32, #tpu.memory_space<hbm>>) target(%arg5 : memref<80x384xf32, #tpu.memory_space<vmem>>) target_semaphore(%arg9 : memref<!tpu.dma_semaphore, #tpu.memory_space<semaphore_mem>>)
    %add3A_45 = arith.constant 11264 : i32
    %add3A_46 = arith.addi %add3A_45, %mul3A_2 : i32
    %add3A_47 = arith.constant 0 : i32
    %add3A_48 = arith.addi %add3A_46, %add3A_47 : i32
    %dma_wait3A = arith.constant 128 : i32
    %dma_wait3A_49 = tpu.memref_slice %arg2[%add3A_48, %dma_wait3A] : memref<16384x512xf32, #tpu.memory_space<hbm>> -> memref<80x384xf32, #tpu.memory_space<hbm>>
    %dma_wait3A_50 = arith.constant 128 : i32
    %dma_wait3A_51 = tpu.memref_slice %arg2[%add3A_48, %dma_wait3A_50] : memref<16384x512xf32, #tpu.memory_space<hbm>> -> memref<80x384xf32, #tpu.memory_space<hbm>>
    tpu.wait_dma2 semaphore(%arg8 : memref<!tpu.dma_semaphore, #tpu.memory_space<semaphore_mem>>) src(%dma_wait3A_51 : memref<80x384xf32, #tpu.memory_space<hbm>>) dst(%arg4 : memref<80x384xf32, #tpu.memory_space<vmem>>)
    %scan3A = arith.constant 0 : i32
    %scan3A_52 = arith.constant 20 : i32
    %scan3A_53 = arith.addi %scan3A, %scan3A_52 : i32
    %scan3A_54 = arith.constant 1 : i32
    scf.for %scan3A_93 = %scan3A to %scan3A_53 step %scan3A_54  : i32 {
      %mul3A_94 = arith.constant 4 : i32
      %mul3A_95 = arith.muli %scan3A_93, %mul3A_94 : i32
      %add3A_96 = arith.constant 0 : i32
      %add3A_97 = arith.addi %add3A_96, %mul3A_95 : i32
      %add3A_98 = arith.constant 0 : i32
      %add3A_99 = arith.addi %add3A_97, %add3A_98 : i32
      %add3A_100 = vector.broadcast %add3A_99 : i32 to vector<16xi32>
      %add3A_101 = arith.addi %mul3A_5, %add3A_100 : vector<16xi32>
      %gather3A = tpu.vector_load_idx %arg4[%add3A_101, %add3A_11] : memref<80x384xf32, #tpu.memory_space<vmem>>[vector<16xi32>, vector<16xi32>], vector<16xf32>,
      %add3A_102 = arith.constant 0 : i32
      %add3A_103 = arith.addi %add3A_97, %add3A_102 : i32
      %swap3A = arith.index_cast %add3A_103 : i32 to index
      %swap3A_104 = arith.constant 0 : index
      %swap3A_105 = tpu.vector_load %arg6[%swap3A, %swap3A_104] {strides = array<i32>} : memref<80x64xf32, #tpu.memory_space<vmem>>, vector<16xf32>,
      tpu.vector_store %arg6[%swap3A, %swap3A_104], %gather3A {strides = array<i32>} : memref<80x64xf32, #tpu.memory_space<vmem>>, vector<16xf32>,
      %gather3A_106 = tpu.vector_load_idx %arg4[%add3A_101, %add3A_17] : memref<80x384xf32, #tpu.memory_space<vmem>>[vector<16xi32>, vector<16xi32>], vector<16xf32>,
      %add3A_107 = arith.constant 0 : i32
      %add3A_108 = arith.addi %add3A_97, %add3A_107 : i32
      %swap3A_109 = arith.index_cast %add3A_108 : i32 to index
      %swap3A_110 = arith.constant 16 : index
      %swap3A_111 = tpu.vector_load %arg6[%swap3A_109, %swap3A_110] {strides = array<i32>} : memref<80x64xf32, #tpu.memory_space<vmem>>, vector<16xf32>,
      tpu.vector_store %arg6[%swap3A_109, %swap3A_110], %gather3A_106 {strides = array<i32>} : memref<80x64xf32, #tpu.memory_space<vmem>>, vector<16xf32>,
      %gather3A_112 = tpu.vector_load_idx %arg4[%add3A_101, %add3A_23] : memref<80x384xf32, #tpu.memory_space<vmem>>[vector<16xi32>, vector<16xi32>], vector<16xf32>,
      %add3A_113 = arith.constant 0 : i32
      %add3A_114 = arith.addi %add3A_97, %add3A_113 : i32
      %swap3A_115 = arith.index_cast %add3A_114 : i32 to index
      %swap3A_116 = arith.constant 32 : index
      %swap3A_117 = tpu.vector_load %arg6[%swap3A_115, %swap3A_116] {strides = array<i32>} : memref<80x64xf32, #tpu.memory_space<vmem>>, vector<16xf32>,
      tpu.vector_store %arg6[%swap3A_115, %swap3A_116], %gather3A_112 {strides = array<i32>} : memref<80x64xf32, #tpu.memory_space<vmem>>, vector<16xf32>,
      %gather3A_118 = tpu.vector_load_idx %arg4[%add3A_101, %add3A_29] : memref<80x384xf32, #tpu.memory_space<vmem>>[vector<16xi32>, vector<16xi32>], vector<16xf32>,
      %add3A_119 = arith.constant 0 : i32
      %add3A_120 = arith.addi %add3A_97, %add3A_119 : i32
      %swap3A_121 = arith.index_cast %add3A_120 : i32 to index
      %swap3A_122 = arith.constant 48 : index
      %swap3A_123 = tpu.vector_load %arg6[%swap3A_121, %swap3A_122] {strides = array<i32>} : memref<80x64xf32, #tpu.memory_space<vmem>>, vector<16xf32>,
      tpu.vector_store %arg6[%swap3A_121, %swap3A_122], %gather3A_118 {strides = array<i32>} : memref<80x64xf32, #tpu.memory_space<vmem>>, vector<16xf32>,
      %add3A_124 = arith.constant 1 : i32
      %add3A_125 = arith.addi %add3A_97, %add3A_124 : i32
      %add3A_126 = vector.broadcast %add3A_125 : i32 to vector<16xi32>
      %add3A_127 = arith.addi %mul3A_5, %add3A_126 : vector<16xi32>
      %gather3A_128 = tpu.vector_load_idx %arg4[%add3A_127, %add3A_11] : memref<80x384xf32, #tpu.memory_space<vmem>>[vector<16xi32>, vector<16xi32>], vector<16xf32>,
      %add3A_129 = arith.constant 1 : i32
      %add3A_130 = arith.addi %add3A_97, %add3A_129 : i32
      %swap3A_131 = arith.index_cast %add3A_130 : i32 to index
      %swap3A_132 = arith.constant 0 : index
      %swap3A_133 = tpu.vector_load %arg6[%swap3A_131, %swap3A_132] {strides = array<i32>} : memref<80x64xf32, #tpu.memory_space<vmem>>, vector<16xf32>,
      tpu.vector_store %arg6[%swap3A_131, %swap3A_132], %gather3A_128 {strides = array<i32>} : memref<80x64xf32, #tpu.memory_space<vmem>>, vector<16xf32>,
      %gather3A_134 = tpu.vector_load_idx %arg4[%add3A_127, %add3A_17] : memref<80x384xf32, #tpu.memory_space<vmem>>[vector<16xi32>, vector<16xi32>], vector<16xf32>,
      %add3A_135 = arith.constant 1 : i32
      %add3A_136 = arith.addi %add3A_97, %add3A_135 : i32
      %swap3A_137 = arith.index_cast %add3A_136 : i32 to index
      %swap3A_138 = arith.constant 16 : index
      %swap3A_139 = tpu.vector_load %arg6[%swap3A_137, %swap3A_138] {strides = array<i32>} : memref<80x64xf32, #tpu.memory_space<vmem>>, vector<16xf32>,
      tpu.vector_store %arg6[%swap3A_137, %swap3A_138], %gather3A_134 {strides = array<i32>} : memref<80x64xf32, #tpu.memory_space<vmem>>, vector<16xf32>,
      %gather3A_140 = tpu.vector_load_idx %arg4[%add3A_127, %add3A_23] : memref<80x384xf32, #tpu.memory_space<vmem>>[vector<16xi32>, vector<16xi32>], vector<16xf32>,
      %add3A_141 = arith.constant 1 : i32
      %add3A_142 = arith.addi %add3A_97, %add3A_141 : i32
      %swap3A_143 = arith.index_cast %add3A_142 : i32 to index
      %swap3A_144 = arith.constant 32 : index
      %swap3A_145 = tpu.vector_load %arg6[%swap3A_143, %swap3A_144] {strides = array<i32>} : memref<80x64xf32, #tpu.memory_space<vmem>>, vector<16xf32>,
      tpu.vector_store %arg6[%swap3A_143, %swap3A_144], %gather3A_140 {strides = array<i32>} : memref<80x64xf32, #tpu.memory_space<vmem>>, vector<16xf32>,
      %gather3A_146 = tpu.vector_load_idx %arg4[%add3A_127, %add3A_29] : memref<80x384xf32, #tpu.memory_space<vmem>>[vector<16xi32>, vector<16xi32>], vector<16xf32>,
      %add3A_147 = arith.constant 1 : i32
      %add3A_148 = arith.addi %add3A_97, %add3A_147 : i32
      %swap3A_149 = arith.index_cast %add3A_148 : i32 to index
      %swap3A_150 = arith.constant 48 : index
      %swap3A_151 = tpu.vector_load %arg6[%swap3A_149, %swap3A_150] {strides = array<i32>} : memref<80x64xf32, #tpu.memory_space<vmem>>, vector<16xf32>,
      tpu.vector_store %arg6[%swap3A_149, %swap3A_150], %gather3A_146 {strides = array<i32>} : memref<80x64xf32, #tpu.memory_space<vmem>>, vector<16xf32>,
      %add3A_152 = arith.constant 2 : i32
      %add3A_153 = arith.addi %add3A_97, %add3A_152 : i32
      %add3A_154 = vector.broadcast %add3A_153 : i32 to vector<16xi32>
      %add3A_155 = arith.addi %mul3A_5, %add3A_154 : vector<16xi32>
      %gather3A_156 = tpu.vector_load_idx %arg4[%add3A_155, %add3A_11] : memref<80x384xf32, #tpu.memory_space<vmem>>[vector<16xi32>, vector<16xi32>], vector<16xf32>,
      %add3A_157 = arith.constant 2 : i32
      %add3A_158 = arith.addi %add3A_97, %add3A_157 : i32
      %swap3A_159 = arith.index_cast %add3A_158 : i32 to index
      %swap3A_160 = arith.constant 0 : index
      %swap3A_161 = tpu.vector_load %arg6[%swap3A_159, %swap3A_160] {strides = array<i32>} : memref<80x64xf32, #tpu.memory_space<vmem>>, vector<16xf32>,
      tpu.vector_store %arg6[%swap3A_159, %swap3A_160], %gather3A_156 {strides = array<i32>} : memref<80x64xf32, #tpu.memory_space<vmem>>, vector<16xf32>,
      %gather3A_162 = tpu.vector_load_idx %arg4[%add3A_155, %add3A_17] : memref<80x384xf32, #tpu.memory_space<vmem>>[vector<16xi32>, vector<16xi32>], vector<16xf32>,
      %add3A_163 = arith.constant 2 : i32
      %add3A_164 = arith.addi %add3A_97, %add3A_163 : i32
      %swap3A_165 = arith.index_cast %add3A_164 : i32 to index
      %swap3A_166 = arith.constant 16 : index
      %swap3A_167 = tpu.vector_load %arg6[%swap3A_165, %swap3A_166] {strides = array<i32>} : memref<80x64xf32, #tpu.memory_space<vmem>>, vector<16xf32>,
      tpu.vector_store %arg6[%swap3A_165, %swap3A_166], %gather3A_162 {strides = array<i32>} : memref<80x64xf32, #tpu.memory_space<vmem>>, vector<16xf32>,
      %gather3A_168 = tpu.vector_load_idx %arg4[%add3A_155, %add3A_23] : memref<80x384xf32, #tpu.memory_space<vmem>>[vector<16xi32>, vector<16xi32>], vector<16xf32>,
      %add3A_169 = arith.constant 2 : i32
      %add3A_170 = arith.addi %add3A_97, %add3A_169 : i32
      %swap3A_171 = arith.index_cast %add3A_170 : i32 to index
      %swap3A_172 = arith.constant 32 : index
      %swap3A_173 = tpu.vector_load %arg6[%swap3A_171, %swap3A_172] {strides = array<i32>} : memref<80x64xf32, #tpu.memory_space<vmem>>, vector<16xf32>,
      tpu.vector_store %arg6[%swap3A_171, %swap3A_172], %gather3A_168 {strides = array<i32>} : memref<80x64xf32, #tpu.memory_space<vmem>>, vector<16xf32>,
      %gather3A_174 = tpu.vector_load_idx %arg4[%add3A_155, %add3A_29] : memref<80x384xf32, #tpu.memory_space<vmem>>[vector<16xi32>, vector<16xi32>], vector<16xf32>,
      %add3A_175 = arith.constant 2 : i32
      %add3A_176 = arith.addi %add3A_97, %add3A_175 : i32
      %swap3A_177 = arith.index_cast %add3A_176 : i32 to index
      %swap3A_178 = arith.constant 48 : index
      %swap3A_179 = tpu.vector_load %arg6[%swap3A_177, %swap3A_178] {strides = array<i32>} : memref<80x64xf32, #tpu.memory_space<vmem>>, vector<16xf32>,
      tpu.vector_store %arg6[%swap3A_177, %swap3A_178], %gather3A_174 {strides = array<i32>} : memref<80x64xf32, #tpu.memory_space<vmem>>, vector<16xf32>,
      %add3A_180 = arith.constant 3 : i32
      %add3A_181 = arith.addi %add3A_97, %add3A_180 : i32
      %add3A_182 = vector.broadcast %add3A_181 : i32 to vector<16xi32>
      %add3A_183 = arith.addi %mul3A_5, %add3A_182 : vector<16xi32>
      %gather3A_184 = tpu.vector_load_idx %arg4[%add3A_183, %add3A_11] : memref<80x384xf32, #tpu.memory_space<vmem>>[vector<16xi32>, vector<16xi32>], vector<16xf32>,
      %add3A_185 = arith.constant 3 : i32
      %add3A_186 = arith.addi %add3A_97, %add3A_185 : i32
      %swap3A_187 = arith.index_cast %add3A_186 : i32 to index
      %swap3A_188 = arith.constant 0 : index
      %swap3A_189 = tpu.vector_load %arg6[%swap3A_187, %swap3A_188] {strides = array<i32>} : memref<80x64xf32, #tpu.memory_space<vmem>>, vector<16xf32>,
      tpu.vector_store %arg6[%swap3A_187, %swap3A_188], %gather3A_184 {strides = array<i32>} : memref<80x64xf32, #tpu.memory_space<vmem>>, vector<16xf32>,
      %gather3A_190 = tpu.vector_load_idx %arg4[%add3A_183, %add3A_17] : memref<80x384xf32, #tpu.memory_space<vmem>>[vector<16xi32>, vector<16xi32>], vector<16xf32>,
      %add3A_191 = arith.constant 3 : i32
      %add3A_192 = arith.addi %add3A_97, %add3A_191 : i32
      %swap3A_193 = arith.index_cast %add3A_192 : i32 to index
      %swap3A_194 = arith.constant 16 : index
      %swap3A_195 = tpu.vector_load %arg6[%swap3A_193, %swap3A_194] {strides = array<i32>} : memref<80x64xf32, #tpu.memory_space<vmem>>, vector<16xf32>,
      tpu.vector_store %arg6[%swap3A_193, %swap3A_194], %gather3A_190 {strides = array<i32>} : memref<80x64xf32, #tpu.memory_space<vmem>>, vector<16xf32>,
      %gather3A_196 = tpu.vector_load_idx %arg4[%add3A_183, %add3A_23] : memref<80x384xf32, #tpu.memory_space<vmem>>[vector<16xi32>, vector<16xi32>], vector<16xf32>,
      %add3A_197 = arith.constant 3 : i32
      %add3A_198 = arith.addi %add3A_97, %add3A_197 : i32
      %swap3A_199 = arith.index_cast %add3A_198 : i32 to index
      %swap3A_200 = arith.constant 32 : index
      %swap3A_201 = tpu.vector_load %arg6[%swap3A_199, %swap3A_200] {strides = array<i32>} : memref<80x64xf32, #tpu.memory_space<vmem>>, vector<16xf32>,
      tpu.vector_store %arg6[%swap3A_199, %swap3A_200], %gather3A_196 {strides = array<i32>} : memref<80x64xf32, #tpu.memory_space<vmem>>, vector<16xf32>,
      %gather3A_202 = tpu.vector_load_idx %arg4[%add3A_183, %add3A_29] : memref<80x384xf32, #tpu.memory_space<vmem>>[vector<16xi32>, vector<16xi32>], vector<16xf32>,
      %add3A_203 = arith.constant 3 : i32
      %add3A_204 = arith.addi %add3A_97, %add3A_203 : i32
      %swap3A_205 = arith.index_cast %add3A_204 : i32 to index
      %swap3A_206 = arith.constant 48 : index
      %swap3A_207 = tpu.vector_load %arg6[%swap3A_205, %swap3A_206] {strides = array<i32>} : memref<80x64xf32, #tpu.memory_space<vmem>>, vector<16xf32>,
      tpu.vector_store %arg6[%swap3A_205, %swap3A_206], %gather3A_202 {strides = array<i32>} : memref<80x64xf32, #tpu.memory_space<vmem>>, vector<16xf32>,
    }
    %scan3A_55 = arith.constant 20 : i32
    %add3A_56 = arith.constant 0 : i32
    %add3A_57 = arith.addi %mul3A_2, %add3A_56 : i32
    %dma_start3A_58 = arith.constant 0 : i32
    %dma_start3A_59 = tpu.memref_slice %arg3[%add3A_57, %dma_start3A_58] : memref<5120x64xf32, #tpu.memory_space<hbm>> -> memref<80x64xf32, #tpu.memory_space<hbm>>
    %dma_start3A_60 = arith.constant 0 : i32
    %dma_start3A_61 = tpu.memref_slice %arg3[%add3A_57, %dma_start3A_60] : memref<5120x64xf32, #tpu.memory_space<hbm>> -> memref<80x64xf32, #tpu.memory_space<hbm>>
    tpu.enqueue_dma source(%arg6 : memref<80x64xf32, #tpu.memory_space<vmem>>) target(%dma_start3A_61 : memref<80x64xf32, #tpu.memory_space<hbm>>) target_semaphore(%arg10 : memref<!tpu.dma_semaphore, #tpu.memory_space<semaphore_mem>>)
    %add3A_62 = arith.constant 11264 : i32
    %add3A_63 = arith.addi %add3A_62, %mul3A_2 : i32
    %add3A_64 = arith.constant 80 : i32
    %add3A_65 = arith.addi %add3A_63, %add3A_64 : i32
    %dma_wait3A_66 = arith.constant 128 : i32
    %dma_wait3A_67 = tpu.memref_slice %arg2[%add3A_65, %dma_wait3A_66] : memref<16384x512xf32, #tpu.memory_space<hbm>> -> memref<80x384xf32, #tpu.memory_space<hbm>>
    %dma_wait3A_68 = arith.constant 128 : i32
    %dma_wait3A_69 = tpu.memref_slice %arg2[%add3A_65, %dma_wait3A_68] : memref<16384x512xf32, #tpu.memory_space<hbm>> -> memref<80x384xf32, #tpu.memory_space<hbm>>
    tpu.wait_dma2 semaphore(%arg9 : memref<!tpu.dma_semaphore, #tpu.memory_space<semaphore_mem>>) src(%dma_wait3A_69 : memref<80x384xf32, #tpu.memory_space<hbm>>) dst(%arg5 : memref<80x384xf32, #tpu.memory_space<vmem>>)
    %scan3A_70 = arith.constant 0 : i32
    %scan3A_71 = arith.constant 20 : i32
    %scan3A_72 = arith.addi %scan3A_70, %scan3A_71 : i32
    %scan3A_73 = arith.constant 1 : i32
    scf.for %scan3A_93 = %scan3A_70 to %scan3A_72 step %scan3A_73  : i32 {
      %mul3A_94 = arith.constant 4 : i32
      %mul3A_95 = arith.muli %scan3A_93, %mul3A_94 : i32
      %add3A_96 = arith.constant 0 : i32
      %add3A_97 = arith.addi %add3A_96, %mul3A_95 : i32
      %add3A_98 = arith.constant 0 : i32
      %add3A_99 = arith.addi %add3A_97, %add3A_98 : i32
      %add3A_100 = vector.broadcast %add3A_99 : i32 to vector<16xi32>
      %add3A_101 = arith.addi %mul3A_5, %add3A_100 : vector<16xi32>
      %gather3A = tpu.vector_load_idx %arg5[%add3A_101, %add3A_11] : memref<80x384xf32, #tpu.memory_space<vmem>>[vector<16xi32>, vector<16xi32>], vector<16xf32>,
      %add3A_102 = arith.constant 0 : i32
      %add3A_103 = arith.addi %add3A_97, %add3A_102 : i32
      %swap3A = arith.index_cast %add3A_103 : i32 to index
      %swap3A_104 = arith.constant 0 : index
      %swap3A_105 = tpu.vector_load %arg7[%swap3A, %swap3A_104] {strides = array<i32>} : memref<80x64xf32, #tpu.memory_space<vmem>>, vector<16xf32>,
      tpu.vector_store %arg7[%swap3A, %swap3A_104], %gather3A {strides = array<i32>} : memref<80x64xf32, #tpu.memory_space<vmem>>, vector<16xf32>,
      %gather3A_106 = tpu.vector_load_idx %arg5[%add3A_101, %add3A_17] : memref<80x384xf32, #tpu.memory_space<vmem>>[vector<16xi32>, vector<16xi32>], vector<16xf32>,
      %add3A_107 = arith.constant 0 : i32
      %add3A_108 = arith.addi %add3A_97, %add3A_107 : i32
      %swap3A_109 = arith.index_cast %add3A_108 : i32 to index
      %swap3A_110 = arith.constant 16 : index
      %swap3A_111 = tpu.vector_load %arg7[%swap3A_109, %swap3A_110] {strides = array<i32>} : memref<80x64xf32, #tpu.memory_space<vmem>>, vector<16xf32>,
      tpu.vector_store %arg7[%swap3A_109, %swap3A_110], %gather3A_106 {strides = array<i32>} : memref<80x64xf32, #tpu.memory_space<vmem>>, vector<16xf32>,
      %gather3A_112 = tpu.vector_load_idx %arg5[%add3A_101, %add3A_23] : memref<80x384xf32, #tpu.memory_space<vmem>>[vector<16xi32>, vector<16xi32>], vector<16xf32>,
      %add3A_113 = arith.constant 0 : i32
      %add3A_114 = arith.addi %add3A_97, %add3A_113 : i32
      %swap3A_115 = arith.index_cast %add3A_114 : i32 to index
      %swap3A_116 = arith.constant 32 : index
      %swap3A_117 = tpu.vector_load %arg7[%swap3A_115, %swap3A_116] {strides = array<i32>} : memref<80x64xf32, #tpu.memory_space<vmem>>, vector<16xf32>,
      tpu.vector_store %arg7[%swap3A_115, %swap3A_116], %gather3A_112 {strides = array<i32>} : memref<80x64xf32, #tpu.memory_space<vmem>>, vector<16xf32>,
      %gather3A_118 = tpu.vector_load_idx %arg5[%add3A_101, %add3A_29] : memref<80x384xf32, #tpu.memory_space<vmem>>[vector<16xi32>, vector<16xi32>], vector<16xf32>,
      %add3A_119 = arith.constant 0 : i32
      %add3A_120 = arith.addi %add3A_97, %add3A_119 : i32
      %swap3A_121 = arith.index_cast %add3A_120 : i32 to index
      %swap3A_122 = arith.constant 48 : index
      %swap3A_123 = tpu.vector_load %arg7[%swap3A_121, %swap3A_122] {strides = array<i32>} : memref<80x64xf32, #tpu.memory_space<vmem>>, vector<16xf32>,
      tpu.vector_store %arg7[%swap3A_121, %swap3A_122], %gather3A_118 {strides = array<i32>} : memref<80x64xf32, #tpu.memory_space<vmem>>, vector<16xf32>,
      %add3A_124 = arith.constant 1 : i32
      %add3A_125 = arith.addi %add3A_97, %add3A_124 : i32
      %add3A_126 = vector.broadcast %add3A_125 : i32 to vector<16xi32>
      %add3A_127 = arith.addi %mul3A_5, %add3A_126 : vector<16xi32>
      %gather3A_128 = tpu.vector_load_idx %arg5[%add3A_127, %add3A_11] : memref<80x384xf32, #tpu.memory_space<vmem>>[vector<16xi32>, vector<16xi32>], vector<16xf32>,
      %add3A_129 = arith.constant 1 : i32
      %add3A_130 = arith.addi %add3A_97, %add3A_129 : i32
      %swap3A_131 = arith.index_cast %add3A_130 : i32 to index
      %swap3A_132 = arith.constant 0 : index
      %swap3A_133 = tpu.vector_load %arg7[%swap3A_131, %swap3A_132] {strides = array<i32>} : memref<80x64xf32, #tpu.memory_space<vmem>>, vector<16xf32>,
      tpu.vector_store %arg7[%swap3A_131, %swap3A_132], %gather3A_128 {strides = array<i32>} : memref<80x64xf32, #tpu.memory_space<vmem>>, vector<16xf32>,
      %gather3A_134 = tpu.vector_load_idx %arg5[%add3A_127, %add3A_17] : memref<80x384xf32, #tpu.memory_space<vmem>>[vector<16xi32>, vector<16xi32>], vector<16xf32>,
      %add3A_135 = arith.constant 1 : i32
      %add3A_136 = arith.addi %add3A_97, %add3A_135 : i32
      %swap3A_137 = arith.index_cast %add3A_136 : i32 to index
      %swap3A_138 = arith.constant 16 : index
      %swap3A_139 = tpu.vector_load %arg7[%swap3A_137, %swap3A_138] {strides = array<i32>} : memref<80x64xf32, #tpu.memory_space<vmem>>, vector<16xf32>,
      tpu.vector_store %arg7[%swap3A_137, %swap3A_138], %gather3A_134 {strides = array<i32>} : memref<80x64xf32, #tpu.memory_space<vmem>>, vector<16xf32>,
      %gather3A_140 = tpu.vector_load_idx %arg5[%add3A_127, %add3A_23] : memref<80x384xf32, #tpu.memory_space<vmem>>[vector<16xi32>, vector<16xi32>], vector<16xf32>,
      %add3A_141 = arith.constant 1 : i32
      %add3A_142 = arith.addi %add3A_97, %add3A_141 : i32
      %swap3A_143 = arith.index_cast %add3A_142 : i32 to index
      %swap3A_144 = arith.constant 32 : index
      %swap3A_145 = tpu.vector_load %arg7[%swap3A_143, %swap3A_144] {strides = array<i32>} : memref<80x64xf32, #tpu.memory_space<vmem>>, vector<16xf32>,
      tpu.vector_store %arg7[%swap3A_143, %swap3A_144], %gather3A_140 {strides = array<i32>} : memref<80x64xf32, #tpu.memory_space<vmem>>, vector<16xf32>,
      %gather3A_146 = tpu.vector_load_idx %arg5[%add3A_127, %add3A_29] : memref<80x384xf32, #tpu.memory_space<vmem>>[vector<16xi32>, vector<16xi32>], vector<16xf32>,
      %add3A_147 = arith.constant 1 : i32
      %add3A_148 = arith.addi %add3A_97, %add3A_147 : i32
      %swap3A_149 = arith.index_cast %add3A_148 : i32 to index
      %swap3A_150 = arith.constant 48 : index
      %swap3A_151 = tpu.vector_load %arg7[%swap3A_149, %swap3A_150] {strides = array<i32>} : memref<80x64xf32, #tpu.memory_space<vmem>>, vector<16xf32>,
      tpu.vector_store %arg7[%swap3A_149, %swap3A_150], %gather3A_146 {strides = array<i32>} : memref<80x64xf32, #tpu.memory_space<vmem>>, vector<16xf32>,
      %add3A_152 = arith.constant 2 : i32
      %add3A_153 = arith.addi %add3A_97, %add3A_152 : i32
      %add3A_154 = vector.broadcast %add3A_153 : i32 to vector<16xi32>
      %add3A_155 = arith.addi %mul3A_5, %add3A_154 : vector<16xi32>
      %gather3A_156 = tpu.vector_load_idx %arg5[%add3A_155, %add3A_11] : memref<80x384xf32, #tpu.memory_space<vmem>>[vector<16xi32>, vector<16xi32>], vector<16xf32>,
      %add3A_157 = arith.constant 2 : i32
      %add3A_158 = arith.addi %add3A_97, %add3A_157 : i32
      %swap3A_159 = arith.index_cast %add3A_158 : i32 to index
      %swap3A_160 = arith.constant 0 : index
      %swap3A_161 = tpu.vector_load %arg7[%swap3A_159, %swap3A_160] {strides = array<i32>} : memref<80x64xf32, #tpu.memory_space<vmem>>, vector<16xf32>,
      tpu.vector_store %arg7[%swap3A_159, %swap3A_160], %gather3A_156 {strides = array<i32>} : memref<80x64xf32, #tpu.memory_space<vmem>>, vector<16xf32>,
      %gather3A_162 = tpu.vector_load_idx %arg5[%add3A_155, %add3A_17] : memref<80x384xf32, #tpu.memory_space<vmem>>[vector<16xi32>, vector<16xi32>], vector<16xf32>,
      %add3A_163 = arith.constant 2 : i32
      %add3A_164 = arith.addi %add3A_97, %add3A_163 : i32
      %swap3A_165 = arith.index_cast %add3A_164 : i32 to index
      %swap3A_166 = arith.constant 16 : index
      %swap3A_167 = tpu.vector_load %arg7[%swap3A_165, %swap3A_166] {strides = array<i32>} : memref<80x64xf32, #tpu.memory_space<vmem>>, vector<16xf32>,
      tpu.vector_store %arg7[%swap3A_165, %swap3A_166], %gather3A_162 {strides = array<i32>} : memref<80x64xf32, #tpu.memory_space<vmem>>, vector<16xf32>,
      %gather3A_168 = tpu.vector_load_idx %arg5[%add3A_155, %add3A_23] : memref<80x384xf32, #tpu.memory_space<vmem>>[vector<16xi32>, vector<16xi32>], vector<16xf32>,
      %add3A_169 = arith.constant 2 : i32
      %add3A_170 = arith.addi %add3A_97, %add3A_169 : i32
      %swap3A_171 = arith.index_cast %add3A_170 : i32 to index
      %swap3A_172 = arith.constant 32 : index
      %swap3A_173 = tpu.vector_load %arg7[%swap3A_171, %swap3A_172] {strides = array<i32>} : memref<80x64xf32, #tpu.memory_space<vmem>>, vector<16xf32>,
      tpu.vector_store %arg7[%swap3A_171, %swap3A_172], %gather3A_168 {strides = array<i32>} : memref<80x64xf32, #tpu.memory_space<vmem>>, vector<16xf32>,
      %gather3A_174 = tpu.vector_load_idx %arg5[%add3A_155, %add3A_29] : memref<80x384xf32, #tpu.memory_space<vmem>>[vector<16xi32>, vector<16xi32>], vector<16xf32>,
      %add3A_175 = arith.constant 2 : i32
      %add3A_176 = arith.addi %add3A_97, %add3A_175 : i32
      %swap3A_177 = arith.index_cast %add3A_176 : i32 to index
      %swap3A_178 = arith.constant 48 : index
      %swap3A_179 = tpu.vector_load %arg7[%swap3A_177, %swap3A_178] {strides = array<i32>} : memref<80x64xf32, #tpu.memory_space<vmem>>, vector<16xf32>,
      tpu.vector_store %arg7[%swap3A_177, %swap3A_178], %gather3A_174 {strides = array<i32>} : memref<80x64xf32, #tpu.memory_space<vmem>>, vector<16xf32>,
      %add3A_180 = arith.constant 3 : i32
      %add3A_181 = arith.addi %add3A_97, %add3A_180 : i32
      %add3A_182 = vector.broadcast %add3A_181 : i32 to vector<16xi32>
      %add3A_183 = arith.addi %mul3A_5, %add3A_182 : vector<16xi32>
      %gather3A_184 = tpu.vector_load_idx %arg5[%add3A_183, %add3A_11] : memref<80x384xf32, #tpu.memory_space<vmem>>[vector<16xi32>, vector<16xi32>], vector<16xf32>,
      %add3A_185 = arith.constant 3 : i32
      %add3A_186 = arith.addi %add3A_97, %add3A_185 : i32
      %swap3A_187 = arith.index_cast %add3A_186 : i32 to index
      %swap3A_188 = arith.constant 0 : index
      %swap3A_189 = tpu.vector_load %arg7[%swap3A_187, %swap3A_188] {strides = array<i32>} : memref<80x64xf32, #tpu.memory_space<vmem>>, vector<16xf32>,
      tpu.vector_store %arg7[%swap3A_187, %swap3A_188], %gather3A_184 {strides = array<i32>} : memref<80x64xf32, #tpu.memory_space<vmem>>, vector<16xf32>,
      %gather3A_190 = tpu.vector_load_idx %arg5[%add3A_183, %add3A_17] : memref<80x384xf32, #tpu.memory_space<vmem>>[vector<16xi32>, vector<16xi32>], vector<16xf32>,
      %add3A_191 = arith.constant 3 : i32
      %add3A_192 = arith.addi %add3A_97, %add3A_191 : i32
      %swap3A_193 = arith.index_cast %add3A_192 : i32 to index
      %swap3A_194 = arith.constant 16 : index
      %swap3A_195 = tpu.vector_load %arg7[%swap3A_193, %swap3A_194] {strides = array<i32>} : memref<80x64xf32, #tpu.memory_space<vmem>>, vector<16xf32>,
      tpu.vector_store %arg7[%swap3A_193, %swap3A_194], %gather3A_190 {strides = array<i32>} : memref<80x64xf32, #tpu.memory_space<vmem>>, vector<16xf32>,
      %gather3A_196 = tpu.vector_load_idx %arg5[%add3A_183, %add3A_23] : memref<80x384xf32, #tpu.memory_space<vmem>>[vector<16xi32>, vector<16xi32>], vector<16xf32>,
      %add3A_197 = arith.constant 3 : i32
      %add3A_198 = arith.addi %add3A_97, %add3A_197 : i32
      %swap3A_199 = arith.index_cast %add3A_198 : i32 to index
      %swap3A_200 = arith.constant 32 : index
      %swap3A_201 = tpu.vector_load %arg7[%swap3A_199, %swap3A_200] {strides = array<i32>} : memref<80x64xf32, #tpu.memory_space<vmem>>, vector<16xf32>,
      tpu.vector_store %arg7[%swap3A_199, %swap3A_200], %gather3A_196 {strides = array<i32>} : memref<80x64xf32, #tpu.memory_space<vmem>>, vector<16xf32>,
      %gather3A_202 = tpu.vector_load_idx %arg5[%add3A_183, %add3A_29] : memref<80x384xf32, #tpu.memory_space<vmem>>[vector<16xi32>, vector<16xi32>], vector<16xf32>,
      %add3A_203 = arith.constant 3 : i32
      %add3A_204 = arith.addi %add3A_97, %add3A_203 : i32
      %swap3A_205 = arith.index_cast %add3A_204 : i32 to index
      %swap3A_206 = arith.constant 48 : index
      %swap3A_207 = tpu.vector_load %arg7[%swap3A_205, %swap3A_206] {strides = array<i32>} : memref<80x64xf32, #tpu.memory_space<vmem>>, vector<16xf32>,
      tpu.vector_store %arg7[%swap3A_205, %swap3A_206], %gather3A_202 {strides = array<i32>} : memref<80x64xf32, #tpu.memory_space<vmem>>, vector<16xf32>,
    }
    %scan3A_74 = arith.constant 20 : i32
    %add3A_75 = arith.constant 80 : i32
    %add3A_76 = arith.addi %mul3A_2, %add3A_75 : i32
    %dma_start3A_77 = arith.constant 0 : i32
    %dma_start3A_78 = tpu.memref_slice %arg3[%add3A_76, %dma_start3A_77] : memref<5120x64xf32, #tpu.memory_space<hbm>> -> memref<80x64xf32, #tpu.memory_space<hbm>>
    %dma_start3A_79 = arith.constant 0 : i32
    %dma_start3A_80 = tpu.memref_slice %arg3[%add3A_76, %dma_start3A_79] : memref<5120x64xf32, #tpu.memory_space<hbm>> -> memref<80x64xf32, #tpu.memory_space<hbm>>
    tpu.enqueue_dma source(%arg7 : memref<80x64xf32, #tpu.memory_space<vmem>>) target(%dma_start3A_80 : memref<80x64xf32, #tpu.memory_space<hbm>>) target_semaphore(%arg11 : memref<!tpu.dma_semaphore, #tpu.memory_space<semaphore_mem>>)
    %add3A_81 = arith.constant 0 : i32
    %add3A_82 = arith.addi %mul3A_2, %add3A_81 : i32
    %dma_wait3A_83 = arith.constant 0 : i32
    %dma_wait3A_84 = tpu.memref_slice %arg3[%add3A_82, %dma_wait3A_83] : memref<5120x64xf32, #tpu.memory_space<hbm>> -> memref<80x64xf32, #tpu.memory_space<hbm>>
    %dma_wait3A_85 = arith.constant 0 : i32
    %dma_wait3A_86 = tpu.memref_slice %arg3[%add3A_82, %dma_wait3A_85] : memref<5120x64xf32, #tpu.memory_space<hbm>> -> memref<80x64xf32, #tpu.memory_space<hbm>>
    tpu.wait_dma2 semaphore(%arg10 : memref<!tpu.dma_semaphore, #tpu.memory_space<semaphore_mem>>) src(%arg6 : memref<80x64xf32, #tpu.memory_space<vmem>>) dst(%dma_wait3A_86 : memref<80x64xf32, #tpu.memory_space<hbm>>)
    %add3A_87 = arith.constant 80 : i32
    %add3A_88 = arith.addi %mul3A_2, %add3A_87 : i32
    %dma_wait3A_89 = arith.constant 0 : i32
    %dma_wait3A_90 = tpu.memref_slice %arg3[%add3A_88, %dma_wait3A_89] : memref<5120x64xf32, #tpu.memory_space<hbm>> -> memref<80x64xf32, #tpu.memory_space<hbm>>
    %dma_wait3A_91 = arith.constant 0 : i32
    %dma_wait3A_92 = tpu.memref_slice %arg3[%add3A_88, %dma_wait3A_91] : memref<5120x64xf32, #tpu.memory_space<hbm>> -> memref<80x64xf32, #tpu.memory_space<hbm>>
    tpu.wait_dma2 semaphore(%arg11 : memref<!tpu.dma_semaphore, #tpu.memory_space<semaphore_mem>>) src(%arg7 : memref<80x64xf32, #tpu.memory_space<vmem>>) dst(%dma_wait3A_92 : memref<80x64xf32, #tpu.memory_space<hbm>>)
    return
  }
}

module attributes {stable_mosaic.version = 14 : i64} {
  func.func @_tc_body(%arg0: i32, %arg1: memref<16384x512xf32, #tpu.memory_space<any>>, %arg2: memref<1024x64xf32, #tpu.memory_space<vmem>>, %arg3: memref<1024x384xf32, #tpu.memory_space<vmem>>, %arg4: memref<1024x384xf32, #tpu.memory_space<vmem>>, %arg5: memref<!tpu.dma_semaphore, #tpu.memory_space<semaphore_mem>>, %arg6: memref<!tpu.dma_semaphore, #tpu.memory_space<semaphore_mem>>) attributes {dimension_semantics = [#tpu.dimension_semantics<arbitrary>], iteration_bounds = array<i64: 11>, scalar_prefetch = 0 : i64, scratch_operands = 4 : i64, tpu.core_type = #tpu.core_type<tc>, window_params = [{}, {transform_indices = @transform_1, window_bounds = array<i64: 1024, 64>}]} {
    %eq3A = arith.constant 0 : i32
    %eq3A_0 = arith.cmpi eq, %arg0, %eq3A : i32
    %convert_element_type3A = arith.extui %eq3A_0 : i1 to i32
    %cond3A = arith.constant 0 : i32
    %cond3A_1 = arith.cmpi ne, %convert_element_type3A, %cond3A : i32
    scf.if %cond3A_1 {
      %dma_start3A = arith.constant 0 : i32
      %dma_start3A_87 = arith.constant 128 : i32
      %dma_start3A_88 = tpu.memref_slice %arg1[%dma_start3A, %dma_start3A_87] : memref<16384x512xf32, #tpu.memory_space<any>> -> memref<1024x384xf32, #tpu.memory_space<any>>
      tpu.enqueue_dma source(%dma_start3A_88 : memref<1024x384xf32, #tpu.memory_space<any>>) target(%arg3 : memref<1024x384xf32, #tpu.memory_space<vmem>>) target_semaphore(%arg5 : memref<!tpu.dma_semaphore, #tpu.memory_space<semaphore_mem>>)
    } else {
    }
    %add3A = arith.constant 1 : i32
    %add3A_2 = arith.addi %arg0, %add3A : i32
    %lt3A = arith.constant 11 : i32
    %lt3A_3 = arith.cmpi slt, %add3A_2, %lt3A : i32
    %jit3A = arith.constant 2 : i32
    %eq3A_4 = arith.constant 0 : i32
    %eq3A_5 = arith.cmpi eq, %jit3A, %eq3A_4 : i32
    %jit3A_6 = arith.constant 1 : i32
    %select_n3A = arith.select %eq3A_5, %jit3A_6, %jit3A : i32
    %rem3A = arith.remsi %add3A_2, %select_n3A : i32
    %ne3A = arith.constant 0 : i32
    %ne3A_7 = arith.cmpi ne, %rem3A, %ne3A : i32
    %lt3A_8 = arith.constant 0 : i32
    %lt3A_9 = arith.cmpi slt, %rem3A, %lt3A_8 : i32
    %lt3A_10 = arith.constant 0 : i32
    %lt3A_11 = arith.cmpi slt, %select_n3A, %lt3A_10 : i32
    %ne3A_12 = arith.xori %lt3A_9, %lt3A_11 : i1
    %and3A = arith.andi %ne3A_12, %ne3A_7 : i1
    %add3A_13 = arith.addi %rem3A, %select_n3A : i32
    %select_n3A_14 = arith.select %and3A, %add3A_13, %rem3A : i32
    %eq3A_15 = arith.constant 0 : i32
    %eq3A_16 = arith.cmpi eq, %select_n3A_14, %eq3A_15 : i32
    %and3A_17 = arith.andi %lt3A_3, %eq3A_16 : i1
    %convert_element_type3A_18 = arith.extui %and3A_17 : i1 to i32
    %cond3A_19 = arith.constant 0 : i32
    %cond3A_20 = arith.cmpi ne, %convert_element_type3A_18, %cond3A_19 : i32
    scf.if %cond3A_20 {
      %mul3A = arith.constant 1024 : i32
      %mul3A_87 = arith.muli %add3A_2, %mul3A : i32
      %dma_start3A = arith.constant 128 : i32
      %dma_start3A_88 = tpu.memref_slice %arg1[%mul3A_87, %dma_start3A] : memref<16384x512xf32, #tpu.memory_space<any>> -> memref<1024x384xf32, #tpu.memory_space<any>>
      tpu.enqueue_dma source(%dma_start3A_88 : memref<1024x384xf32, #tpu.memory_space<any>>) target(%arg3 : memref<1024x384xf32, #tpu.memory_space<vmem>>) target_semaphore(%arg5 : memref<!tpu.dma_semaphore, #tpu.memory_space<semaphore_mem>>)
    } else {
    }
    %lt3A_21 = arith.constant 11 : i32
    %lt3A_22 = arith.cmpi slt, %add3A_2, %lt3A_21 : i32
    %jit3A_23 = arith.constant 2 : i32
    %eq3A_24 = arith.constant 0 : i32
    %eq3A_25 = arith.cmpi eq, %jit3A_23, %eq3A_24 : i32
    %jit3A_26 = arith.constant 1 : i32
    %select_n3A_27 = arith.select %eq3A_25, %jit3A_26, %jit3A_23 : i32
    %rem3A_28 = arith.remsi %add3A_2, %select_n3A_27 : i32
    %ne3A_29 = arith.constant 0 : i32
    %ne3A_30 = arith.cmpi ne, %rem3A_28, %ne3A_29 : i32
    %lt3A_31 = arith.constant 0 : i32
    %lt3A_32 = arith.cmpi slt, %rem3A_28, %lt3A_31 : i32
    %lt3A_33 = arith.constant 0 : i32
    %lt3A_34 = arith.cmpi slt, %select_n3A_27, %lt3A_33 : i32
    %ne3A_35 = arith.xori %lt3A_32, %lt3A_34 : i1
    %and3A_36 = arith.andi %ne3A_35, %ne3A_30 : i1
    %add3A_37 = arith.addi %rem3A_28, %select_n3A_27 : i32
    %select_n3A_38 = arith.select %and3A_36, %add3A_37, %rem3A_28 : i32
    %eq3A_39 = arith.constant 1 : i32
    %eq3A_40 = arith.cmpi eq, %select_n3A_38, %eq3A_39 : i32
    %and3A_41 = arith.andi %lt3A_22, %eq3A_40 : i1
    %convert_element_type3A_42 = arith.extui %and3A_41 : i1 to i32
    %cond3A_43 = arith.constant 0 : i32
    %cond3A_44 = arith.cmpi ne, %convert_element_type3A_42, %cond3A_43 : i32
    scf.if %cond3A_44 {
      %mul3A = arith.constant 1024 : i32
      %mul3A_87 = arith.muli %add3A_2, %mul3A : i32
      %dma_start3A = arith.constant 128 : i32
      %dma_start3A_88 = tpu.memref_slice %arg1[%mul3A_87, %dma_start3A] : memref<16384x512xf32, #tpu.memory_space<any>> -> memref<1024x384xf32, #tpu.memory_space<any>>
      tpu.enqueue_dma source(%dma_start3A_88 : memref<1024x384xf32, #tpu.memory_space<any>>) target(%arg4 : memref<1024x384xf32, #tpu.memory_space<vmem>>) target_semaphore(%arg6 : memref<!tpu.dma_semaphore, #tpu.memory_space<semaphore_mem>>)
    } else {
    }
    %jit3A_45 = arith.constant 2 : i32
    %eq3A_46 = arith.constant 0 : i32
    %eq3A_47 = arith.cmpi eq, %jit3A_45, %eq3A_46 : i32
    %jit3A_48 = arith.constant 1 : i32
    %select_n3A_49 = arith.select %eq3A_47, %jit3A_48, %jit3A_45 : i32
    %rem3A_50 = arith.remsi %arg0, %select_n3A_49 : i32
    %ne3A_51 = arith.constant 0 : i32
    %ne3A_52 = arith.cmpi ne, %rem3A_50, %ne3A_51 : i32
    %lt3A_53 = arith.constant 0 : i32
    %lt3A_54 = arith.cmpi slt, %rem3A_50, %lt3A_53 : i32
    %lt3A_55 = arith.constant 0 : i32
    %lt3A_56 = arith.cmpi slt, %select_n3A_49, %lt3A_55 : i32
    %ne3A_57 = arith.xori %lt3A_54, %lt3A_56 : i1
    %and3A_58 = arith.andi %ne3A_57, %ne3A_52 : i1
    %add3A_59 = arith.addi %rem3A_50, %select_n3A_49 : i32
    %select_n3A_60 = arith.select %and3A_58, %add3A_59, %rem3A_50 : i32
    %eq3A_61 = arith.constant 0 : i32
    %eq3A_62 = arith.cmpi eq, %select_n3A_60, %eq3A_61 : i32
    %convert_element_type3A_63 = arith.extui %eq3A_62 : i1 to i32
    %cond3A_64 = arith.constant 0 : i32
    %cond3A_65 = arith.cmpi ne, %convert_element_type3A_63, %cond3A_64 : i32
    scf.if %cond3A_65 {
      %mul3A = arith.constant 1024 : i32
      %mul3A_87 = arith.muli %arg0, %mul3A : i32
      %dma_wait3A = arith.constant 128 : i32
      %dma_wait3A_88 = tpu.memref_slice %arg1[%mul3A_87, %dma_wait3A] : memref<16384x512xf32, #tpu.memory_space<any>> -> memref<1024x384xf32, #tpu.memory_space<any>>
      tpu.wait_dma2 semaphore(%arg5 : memref<!tpu.dma_semaphore, #tpu.memory_space<semaphore_mem>>) src(%dma_wait3A_88 : memref<1024x384xf32, #tpu.memory_space<any>>) dst(%arg3 : memref<1024x384xf32, #tpu.memory_space<vmem>>)
      %iota3A = tpu.iota {dimensions = array<i32: 1>} : vector<1024x64xi32>
      %mul3A_89 = arith.constant 6 : i32
      %mul3A_90 = vector.broadcast %mul3A_89 : i32 to vector<1024x64xi32>
      %mul3A_91 = arith.muli %mul3A_90, %iota3A : vector<1024x64xi32>
      %shift_right_arithmetic3A = arith.constant 7 : i32
      %shift_right_arithmetic3A_92 = vector.broadcast %shift_right_arithmetic3A : i32 to vector<1024x64xi32>
      %shift_right_arithmetic3A_93 = arith.shrsi %mul3A_91, %shift_right_arithmetic3A_92 : vector<1024x64xi32>
      %and3A_94 = arith.constant 127 : i32
      %and3A_95 = vector.broadcast %and3A_94 : i32 to vector<1024x64xi32>
      %and3A_96 = arith.andi %mul3A_91, %and3A_95 : vector<1024x64xi32>
      %get3A = arith.constant 0 : index
      %get3A_97 = arith.constant 0 : index
      %get3A_98 = vector.load %arg3[%get3A, %get3A_97] : memref<1024x384xf32, #tpu.memory_space<vmem>>, vector<1024x128xf32>
      %lt3A_99 = arith.constant 0 : i32
      %lt3A_100 = vector.broadcast %lt3A_99 : i32 to vector<1024x64xi32>
      %lt3A_101 = arith.cmpi slt, %and3A_96, %lt3A_100 : vector<1024x64xi32>
      %add3A_102 = arith.constant 128 : i32
      %add3A_103 = vector.broadcast %add3A_102 : i32 to vector<1024x64xi32>
      %add3A_104 = arith.addi %and3A_96, %add3A_103 : vector<1024x64xi32>
      %select_n3A_105 = arith.select %lt3A_101, %add3A_104, %and3A_96 : vector<1024x64xi1>, vector<1024x64xi32>
      %reshape3A = vector.shape_cast %select_n3A_105 : vector<1024x64xi32> to vector<1024x64x1xi32>
      %gather3A = vector.shape_cast %reshape3A : vector<1024x64x1xi32> to vector<1024x64xi32>
      %gather3A_106 = tpu.dynamic_gather %get3A_98[%gather3A] in [1] : vector<1024x128xf32>, vector<1024x64xi32> -> vector<1024x64xf32>
      %get3A_107 = arith.constant 0 : index
      %get3A_108 = arith.constant 128 : index
      %get3A_109 = vector.load %arg3[%get3A_107, %get3A_108] : memref<1024x384xf32, #tpu.memory_space<vmem>>, vector<1024x128xf32>
      %lt3A_110 = arith.constant 0 : i32
      %lt3A_111 = vector.broadcast %lt3A_110 : i32 to vector<1024x64xi32>
      %lt3A_112 = arith.cmpi slt, %and3A_96, %lt3A_111 : vector<1024x64xi32>
      %add3A_113 = arith.constant 128 : i32
      %add3A_114 = vector.broadcast %add3A_113 : i32 to vector<1024x64xi32>
      %add3A_115 = arith.addi %and3A_96, %add3A_114 : vector<1024x64xi32>
      %select_n3A_116 = arith.select %lt3A_112, %add3A_115, %and3A_96 : vector<1024x64xi1>, vector<1024x64xi32>
      %reshape3A_117 = vector.shape_cast %select_n3A_116 : vector<1024x64xi32> to vector<1024x64x1xi32>
      %gather3A_118 = vector.shape_cast %reshape3A_117 : vector<1024x64x1xi32> to vector<1024x64xi32>
      %gather3A_119 = tpu.dynamic_gather %get3A_109[%gather3A_118] in [1] : vector<1024x128xf32>, vector<1024x64xi32> -> vector<1024x64xf32>
      %get3A_120 = arith.constant 0 : index
      %get3A_121 = arith.constant 256 : index
      %get3A_122 = vector.load %arg3[%get3A_120, %get3A_121] : memref<1024x384xf32, #tpu.memory_space<vmem>>, vector<1024x128xf32>
      %lt3A_123 = arith.constant 0 : i32
      %lt3A_124 = vector.broadcast %lt3A_123 : i32 to vector<1024x64xi32>
      %lt3A_125 = arith.cmpi slt, %and3A_96, %lt3A_124 : vector<1024x64xi32>
      %add3A_126 = arith.constant 128 : i32
      %add3A_127 = vector.broadcast %add3A_126 : i32 to vector<1024x64xi32>
      %add3A_128 = arith.addi %and3A_96, %add3A_127 : vector<1024x64xi32>
      %select_n3A_129 = arith.select %lt3A_125, %add3A_128, %and3A_96 : vector<1024x64xi1>, vector<1024x64xi32>
      %reshape3A_130 = vector.shape_cast %select_n3A_129 : vector<1024x64xi32> to vector<1024x64x1xi32>
      %gather3A_131 = vector.shape_cast %reshape3A_130 : vector<1024x64x1xi32> to vector<1024x64xi32>
      %gather3A_132 = tpu.dynamic_gather %get3A_122[%gather3A_131] in [1] : vector<1024x128xf32>, vector<1024x64xi32> -> vector<1024x64xf32>
      %eq3A_133 = arith.constant 0 : i32
      %eq3A_134 = vector.broadcast %eq3A_133 : i32 to vector<1024x64xi32>
      %eq3A_135 = arith.cmpi eq, %shift_right_arithmetic3A_93, %eq3A_134 : vector<1024x64xi32>
      %eq3A_136 = arith.constant 1 : i32
      %eq3A_137 = vector.broadcast %eq3A_136 : i32 to vector<1024x64xi32>
      %eq3A_138 = arith.cmpi eq, %shift_right_arithmetic3A_93, %eq3A_137 : vector<1024x64xi32>
      %select_n3A_139 = arith.select %eq3A_138, %gather3A_119, %gather3A_132 : vector<1024x64xi1>, vector<1024x64xf32>
      %select_n3A_140 = arith.select %eq3A_135, %gather3A_106, %select_n3A_139 : vector<1024x64xi1>, vector<1024x64xf32>
      %swap3A = arith.constant 0 : index
      %swap3A_141 = arith.constant 0 : index
      %swap3A_142 = vector.load %arg2[%swap3A, %swap3A_141] : memref<1024x64xf32, #tpu.memory_space<vmem>>, vector<1024x64xf32>
      tpu.vector_store %arg2[%swap3A, %swap3A_141], %select_n3A_140 {strides = array<i32>} : memref<1024x64xf32, #tpu.memory_space<vmem>>, vector<1024x64xf32>,
    } else {
    }
    %jit3A_66 = arith.constant 2 : i32
    %eq3A_67 = arith.constant 0 : i32
    %eq3A_68 = arith.cmpi eq, %jit3A_66, %eq3A_67 : i32
    %jit3A_69 = arith.constant 1 : i32
    %select_n3A_70 = arith.select %eq3A_68, %jit3A_69, %jit3A_66 : i32
    %rem3A_71 = arith.remsi %arg0, %select_n3A_70 : i32
    %ne3A_72 = arith.constant 0 : i32
    %ne3A_73 = arith.cmpi ne, %rem3A_71, %ne3A_72 : i32
    %lt3A_74 = arith.constant 0 : i32
    %lt3A_75 = arith.cmpi slt, %rem3A_71, %lt3A_74 : i32
    %lt3A_76 = arith.constant 0 : i32
    %lt3A_77 = arith.cmpi slt, %select_n3A_70, %lt3A_76 : i32
    %ne3A_78 = arith.xori %lt3A_75, %lt3A_77 : i1
    %and3A_79 = arith.andi %ne3A_78, %ne3A_73 : i1
    %add3A_80 = arith.addi %rem3A_71, %select_n3A_70 : i32
    %select_n3A_81 = arith.select %and3A_79, %add3A_80, %rem3A_71 : i32
    %eq3A_82 = arith.constant 1 : i32
    %eq3A_83 = arith.cmpi eq, %select_n3A_81, %eq3A_82 : i32
    %convert_element_type3A_84 = arith.extui %eq3A_83 : i1 to i32
    %cond3A_85 = arith.constant 0 : i32
    %cond3A_86 = arith.cmpi ne, %convert_element_type3A_84, %cond3A_85 : i32
    scf.if %cond3A_86 {
      %mul3A = arith.constant 1024 : i32
      %mul3A_87 = arith.muli %arg0, %mul3A : i32
      %dma_wait3A = arith.constant 128 : i32
      %dma_wait3A_88 = tpu.memref_slice %arg1[%mul3A_87, %dma_wait3A] : memref<16384x512xf32, #tpu.memory_space<any>> -> memref<1024x384xf32, #tpu.memory_space<any>>
      tpu.wait_dma2 semaphore(%arg6 : memref<!tpu.dma_semaphore, #tpu.memory_space<semaphore_mem>>) src(%dma_wait3A_88 : memref<1024x384xf32, #tpu.memory_space<any>>) dst(%arg4 : memref<1024x384xf32, #tpu.memory_space<vmem>>)
      %iota3A = tpu.iota {dimensions = array<i32: 1>} : vector<1024x64xi32>
      %mul3A_89 = arith.constant 6 : i32
      %mul3A_90 = vector.broadcast %mul3A_89 : i32 to vector<1024x64xi32>
      %mul3A_91 = arith.muli %mul3A_90, %iota3A : vector<1024x64xi32>
      %shift_right_arithmetic3A = arith.constant 7 : i32
      %shift_right_arithmetic3A_92 = vector.broadcast %shift_right_arithmetic3A : i32 to vector<1024x64xi32>
      %shift_right_arithmetic3A_93 = arith.shrsi %mul3A_91, %shift_right_arithmetic3A_92 : vector<1024x64xi32>
      %and3A_94 = arith.constant 127 : i32
      %and3A_95 = vector.broadcast %and3A_94 : i32 to vector<1024x64xi32>
      %and3A_96 = arith.andi %mul3A_91, %and3A_95 : vector<1024x64xi32>
      %get3A = arith.constant 0 : index
      %get3A_97 = arith.constant 0 : index
      %get3A_98 = vector.load %arg4[%get3A, %get3A_97] : memref<1024x384xf32, #tpu.memory_space<vmem>>, vector<1024x128xf32>
      %lt3A_99 = arith.constant 0 : i32
      %lt3A_100 = vector.broadcast %lt3A_99 : i32 to vector<1024x64xi32>
      %lt3A_101 = arith.cmpi slt, %and3A_96, %lt3A_100 : vector<1024x64xi32>
      %add3A_102 = arith.constant 128 : i32
      %add3A_103 = vector.broadcast %add3A_102 : i32 to vector<1024x64xi32>
      %add3A_104 = arith.addi %and3A_96, %add3A_103 : vector<1024x64xi32>
      %select_n3A_105 = arith.select %lt3A_101, %add3A_104, %and3A_96 : vector<1024x64xi1>, vector<1024x64xi32>
      %reshape3A = vector.shape_cast %select_n3A_105 : vector<1024x64xi32> to vector<1024x64x1xi32>
      %gather3A = vector.shape_cast %reshape3A : vector<1024x64x1xi32> to vector<1024x64xi32>
      %gather3A_106 = tpu.dynamic_gather %get3A_98[%gather3A] in [1] : vector<1024x128xf32>, vector<1024x64xi32> -> vector<1024x64xf32>
      %get3A_107 = arith.constant 0 : index
      %get3A_108 = arith.constant 128 : index
      %get3A_109 = vector.load %arg4[%get3A_107, %get3A_108] : memref<1024x384xf32, #tpu.memory_space<vmem>>, vector<1024x128xf32>
      %lt3A_110 = arith.constant 0 : i32
      %lt3A_111 = vector.broadcast %lt3A_110 : i32 to vector<1024x64xi32>
      %lt3A_112 = arith.cmpi slt, %and3A_96, %lt3A_111 : vector<1024x64xi32>
      %add3A_113 = arith.constant 128 : i32
      %add3A_114 = vector.broadcast %add3A_113 : i32 to vector<1024x64xi32>
      %add3A_115 = arith.addi %and3A_96, %add3A_114 : vector<1024x64xi32>
      %select_n3A_116 = arith.select %lt3A_112, %add3A_115, %and3A_96 : vector<1024x64xi1>, vector<1024x64xi32>
      %reshape3A_117 = vector.shape_cast %select_n3A_116 : vector<1024x64xi32> to vector<1024x64x1xi32>
      %gather3A_118 = vector.shape_cast %reshape3A_117 : vector<1024x64x1xi32> to vector<1024x64xi32>
      %gather3A_119 = tpu.dynamic_gather %get3A_109[%gather3A_118] in [1] : vector<1024x128xf32>, vector<1024x64xi32> -> vector<1024x64xf32>
      %get3A_120 = arith.constant 0 : index
      %get3A_121 = arith.constant 256 : index
      %get3A_122 = vector.load %arg4[%get3A_120, %get3A_121] : memref<1024x384xf32, #tpu.memory_space<vmem>>, vector<1024x128xf32>
      %lt3A_123 = arith.constant 0 : i32
      %lt3A_124 = vector.broadcast %lt3A_123 : i32 to vector<1024x64xi32>
      %lt3A_125 = arith.cmpi slt, %and3A_96, %lt3A_124 : vector<1024x64xi32>
      %add3A_126 = arith.constant 128 : i32
      %add3A_127 = vector.broadcast %add3A_126 : i32 to vector<1024x64xi32>
      %add3A_128 = arith.addi %and3A_96, %add3A_127 : vector<1024x64xi32>
      %select_n3A_129 = arith.select %lt3A_125, %add3A_128, %and3A_96 : vector<1024x64xi1>, vector<1024x64xi32>
      %reshape3A_130 = vector.shape_cast %select_n3A_129 : vector<1024x64xi32> to vector<1024x64x1xi32>
      %gather3A_131 = vector.shape_cast %reshape3A_130 : vector<1024x64x1xi32> to vector<1024x64xi32>
      %gather3A_132 = tpu.dynamic_gather %get3A_122[%gather3A_131] in [1] : vector<1024x128xf32>, vector<1024x64xi32> -> vector<1024x64xf32>
      %eq3A_133 = arith.constant 0 : i32
      %eq3A_134 = vector.broadcast %eq3A_133 : i32 to vector<1024x64xi32>
      %eq3A_135 = arith.cmpi eq, %shift_right_arithmetic3A_93, %eq3A_134 : vector<1024x64xi32>
      %eq3A_136 = arith.constant 1 : i32
      %eq3A_137 = vector.broadcast %eq3A_136 : i32 to vector<1024x64xi32>
      %eq3A_138 = arith.cmpi eq, %shift_right_arithmetic3A_93, %eq3A_137 : vector<1024x64xi32>
      %select_n3A_139 = arith.select %eq3A_138, %gather3A_119, %gather3A_132 : vector<1024x64xi1>, vector<1024x64xf32>
      %select_n3A_140 = arith.select %eq3A_135, %gather3A_106, %select_n3A_139 : vector<1024x64xi1>, vector<1024x64xf32>
      %swap3A = arith.constant 0 : index
      %swap3A_141 = arith.constant 0 : index
      %swap3A_142 = vector.load %arg2[%swap3A, %swap3A_141] : memref<1024x64xf32, #tpu.memory_space<vmem>>, vector<1024x64xf32>
      tpu.vector_store %arg2[%swap3A, %swap3A_141], %select_n3A_140 {strides = array<i32>} : memref<1024x64xf32, #tpu.memory_space<vmem>>, vector<1024x64xf32>,
    } else {
    }
    return
  }
  func.func @transform_1(%arg0: i32) -> (i32, i32) {
    %c0_i32 = arith.constant 0 : i32
    %c0_i32_0 = arith.constant 0 : i32
    return %arg0, %c0_i32 : i32, i32
  }
}

</mosaic_0001>

<sc_bundles>
// kernel: kernel.4.cloned.1.call-start
scs
__scs_entry_jumppad:
0x0: {  	(pc) =	sbr.rel $0x88, $3  }
0x1: {  	(tag) =	ssettag $0x0;
	lr =	simm.s32 $0x1  }
0x2: {  	[smem:$0x3FA0] =	sst lr;
	_ =	strace $0xD0000000  }
0x3: {  	_ = 	snop  }
0x4: {  	_ = 	snop  }
0x5: {  	_ = 	snop  }
0x6: {  	_ = 	snop  }
0x7: {  	_ = 	snop  }
__scs_overlays_trampoline_lowered:
0x8: {  	[smem:$0x3FAF] =	sst s0  }
0x9: {  	[smem:$0x3FB0] =	sst s1  }
0xa: {  	[smem:$0x3FB1] =	sst s2  }
0xb: {  	[smem:$0x3FB2] =	sst s3  }
0xc: {  	[smem:$0x3FB3] =	sst s4  }
0xd: {  	[smem:$0x3FB4] =	sst s5  }
0xe: {  	[smem:$0x3FB5] =	sst s6  }
0xf: {  	[smem:$0x3FB6] =	sst s7  }
0x10: {  	[smem:$0x3FB7] =	sst s8  }
0x11: {  	[smem:$0x3FB8] =	sst s9;
	s0 =	simm.s32 @!p0 $0x0  }
0x12: {  	s1 =	sld [smem:$0x3F9E];
	s0 =	simm.s32 @p0 $0x1  }
0x13: {  	[smem:$0x3FB9] =	sst s0;
	s0 =	simm.s32 @!p1 $0x0  }
0x14: {  	s2 =	sld [smem:$0x3F9D];
	s0 =	simm.s32 @p1 $0x1  }
0x15: {  	[smem:$0x3FBA] =	sst s0;
	s0 =	simm.s32 @!p2 $0x0  }
0x16: {  	s3 =	sld [smem:$0x3FDB];
	s0 =	simm.s32 @p2 $0x1  }
0x17: {  	s4 =	simm.s32 $0x1BF5;
	[smem:$0x3FBC] =	sst s0  }
0x18: {  	s0 =	sld [smem:$0x3F9F];
	_ =	swait.ge [sflag:s4], $0x0  }
0x19: {  	s7 =	sld [smem:$0x3FA0]  }
0x1a: {  	s8 =	sadd.s32 $0xFFFFE003, lr  }
0x1b: {  	s9 =	sadd.s32 $0xFFFFFEF7, lr;
	s5 =	simm.s32 $0xFFFFFFFF;
	p2 =	slt.u32 s8, $0xFFFFF086  }
0x1c: {  	p1 =	slt.u32 s9, $0xF7A;
	s5 =	simm.s32 @!p2 $0x0  }
0x1d: {  	s5 =	simm.s32 @p1 $0x1;
	p0 =	seq.s32 s7, s2  }
0x1e: {  	s7 =	smul.u32 @!p0 $0xF7A, s2;
	p2 =	seq.s32 @!p0 s5, $0x0  }
0x1f: {  	s9 =	smul.u32 $0xF7A, s1;
	s8 =	simm.s32 @!p0 $0x1BF5;
	p2 =	por !p2, p0  }
0x20: {  	[sflag:s8] =	ssyncset.s32 @!p0 $0xFFFFF086;
	s6 =	sadd.s32 @!p0 s3, s7;
	s7 =	simm.s32 @!p0 $0x108  }
0x21: {  	s3 =	sadd.s32 s3, s9;
	s6 =	sadd.s32 @!p0 $0x88, s6;
	s7 =	simm.s32 @p2 $0x1082  }
0x22: {  	[simem:s7], [sflag:s8] =	dma.local @!p0 [hbm:s6], $0xF7A  }
0x23: {  	s9 =	sor.u32 $0xD0000000, s2;
	s6 =	simm.s32 $0x108;
	_ =	swait.ge @!p0 [sflag:s8], $0x0  }
0x24: {  	s3 =	sadd.s32 $0x88, s3;
	s6 =	simm.s32 @!p1 $0x1082;
	[sflag:s4] =	ssyncset.s32 $0xFFFFF086  }
0x25: {  	[simem:s6], [sflag:s4] =	dma.local [hbm:s3], $0xF7A  }
0x26: {  	[smem:$0x3FA0] =	sst s1;
	(tag) =	ssettag s2;
	_ =	strace s9  }
0x27: {  	s1 =	sld [smem:$0x3FB0]  }
0x28: {  	s2 =	sld [smem:$0x3FB1]  }
0x29: {  	s4 =	sld [smem:$0x3FB3]  }
0x2a: {  	p0 =	seq.s32 s5, $0x0;
	s5 =	sld [smem:$0x3FB4]  }
0x2b: {  	s6 =	sld [smem:$0x3FB5]  }
0x2c: {  	s7 =	sld [smem:$0x3FB6]  }
0x2d: {  	s3 =	simm.s32 $0x108;
	s8 =	sld [smem:$0x3FB7]  }
0x2e: {  	s3 =	simm.s32 @!p0 $0x1082;
	s9 =	sld [smem:$0x3FB8]  }
0x2f: {  	lr =	sadd.s32 s0, s3;
	s0 =	sld [smem:$0x3FAF]  }
0x30: {  	s3 =	sld [smem:$0x3FB2]  }
0x31: {  	[smem:$0x3FBB] =	sst s10  }
0x32: {  	s10 =	sld [smem:$0x3FB9];
	_ =	sdelay $0x3  }
0x33: {  	p0 =	seq.s32 s10, $0x1;
	s10 =	sld [smem:$0x3FBB];
	_ =	sdelay $0x3  }
0x34: {  	[smem:$0x3FBB] =	sst s10  }
0x35: {  	s10 =	sld [smem:$0x3FBA];
	_ =	sdelay $0x3  }
0x36: {  	p1 =	seq.s32 s10, $0x1;
	s10 =	sld [smem:$0x3FBB];
	_ =	sdelay $0x3  }
0x37: {  	[smem:$0x3FBB] =	sst s10  }
0x38: {  	s10 =	sld [smem:$0x3FBC]  }
0x39: {  	_ = 	snop;
	(pc) =	sbr.ind lr, $3  }
0x3a: {  	_ = 	snop  }
0x3b: {  	_ = 	snop  }
0x3c: {  	p2 =	seq.s32 s10, $0x1;
	s10 =	sld [smem:$0x3FBB]  }
0x3d: {  	_ =	shalt  }
0x3e: {  	_ =	shalt  }
0x3f: {  	_ =	shalt  }
0x40: {  	_ =	shalt  }
0x41: {  	_ =	shalt  }
0x42: {  	_ =	shalt  }
0x43: {  	_ =	shalt  }
0x44: {  	_ =	shalt  }
0x45: {  	_ =	shalt  }
0x46: {  	_ =	shalt  }
0x47: {  	_ =	shalt  }
0x48: {  	_ =	shalt  }
0x49: {  	_ =	shalt  }
0x4a: {  	_ =	shalt  }
0x4b: {  	_ =	shalt  }
0x4c: {  	_ =	shalt  }
0x4d: {  	_ =	shalt  }
0x4e: {  	_ =	shalt  }
0x4f: {  	_ =	shalt  }
0x50: {  	_ =	shalt  }
0x51: {  	_ =	shalt  }
0x52: {  	_ =	shalt  }
0x53: {  	_ =	shalt  }
0x54: {  	_ =	shalt  }
0x55: {  	_ =	shalt  }
0x56: {  	_ =	shalt  }
0x57: {  	_ =	shalt  }
0x58: {  	_ =	shalt  }
0x59: {  	_ =	shalt  }
0x5a: {  	_ =	shalt  }
0x5b: {  	_ =	shalt  }
0x5c: {  	_ =	shalt  }
0x5d: {  	_ =	shalt  }
0x5e: {  	_ =	shalt  }
0x5f: {  	_ =	shalt  }
0x60: {  	_ =	shalt  }
0x61: {  	_ =	shalt  }
0x62: {  	_ =	shalt  }
0x63: {  	_ =	shalt  }
0x64: {  	_ =	shalt  }
0x65: {  	_ =	shalt  }
0x66: {  	_ =	shalt  }
0x67: {  	_ =	shalt  }
0x68: {  	_ =	shalt  }
0x69: {  	_ =	shalt  }
0x6a: {  	_ =	shalt  }
0x6b: {  	_ =	shalt  }
0x6c: {  	_ =	shalt  }
0x6d: {  	_ =	shalt  }
0x6e: {  	_ =	shalt  }
0x6f: {  	_ =	shalt  }
0x70: {  	_ =	shalt  }
0x71: {  	_ =	shalt  }
0x72: {  	_ =	shalt  }
0x73: {  	_ =	shalt  }
0x74: {  	_ =	shalt  }
0x75: {  	_ =	shalt  }
0x76: {  	_ =	shalt  }
0x77: {  	_ =	shalt  }
0x78: {  	_ =	shalt  }
0x79: {  	_ =	shalt  }
0x7a: {  	_ =	shalt  }
0x7b: {  	_ =	shalt  }
0x7c: {  	_ =	shalt  }
0x7d: {  	_ =	shalt  }
0x7e: {  	_ =	shalt  }
0x7f: {  	_ =	shalt  }
0x80: {  	_ =	shalt  }
0x81: {  	_ =	shalt  }
0x82: {  	_ =	shalt  }
0x83: {  	_ =	shalt  }
0x84: {  	_ =	shalt  }
0x85: {  	_ =	shalt  }
0x86: {  	_ =	shalt  }
0x87: {  	_ =	shalt  }
.Lfunc_end0:
.L_simem_size_0:
called_computation_lowered:
.L_overlay_start_0:
0x88: {  	s2 =	sld [smem:$0x3FD9]  }
0x89: {  	s3 =	sld [smem:$0x3FFE];
	_ =	sdelay $0x1  }
0x8a: {  	s1 =	srdreg.scid  }
0x8b: {  	s0 =	sand.u32 $0x1, s1  }
0x8c: {  	s18 =	sshll.u32 s0, $0xA;
	s2 =	sadd.s32 s3, s2  }
0x8d: {  	s2 =	sadd.s32 s2, s18  }
0x8e: {  	[smem:$0x3FC7] =	sst s2  }
0x8f: {  	_ = 	snop  }
0x90: {  	s2 =	sld [smem:$0x3FC9]  }
0x91: {  	s19 =	sld [smem:$0x3FD0];
	(tm) =	ssettm $0x1  }
0x92: {  	s4 =	sld [smem:$0x3FFB];
	_ =	sdelay $0x3  }
0x93: {  	_ =	strace s4  }
0x94: {  	s4 =	sld [smem:$0x3FFC];
	_ =	sdelay $0x3  }
0x95: {  	_ =	strace s4  }
0x96: {  	s4 =	sld [smem:$0x3FFD];
	_ =	sdelay $0x3  }
0x97: {  	_ =	strace s4  }
0x98: {  	_ =	strace $0x8FFFFFFF  }
0x99: {  	s20 =	sld [smem:$0x3FDB];
	_ =	sdelay $0x1  }
0x9a: {  	s5 =	simm.s32 $_scs_section_size  }
0x9b: {  	s6 =	simm.s32 $_size__tile_overlayer_lowered;
	s7 =	simm.s32 $_tile_overlayer_lowered  }
0x9c: {  	s23 =	simm.s32 $0x1BFF;
	s22 =	sshll.u32 s7, $0x1;
	s4 =	sadd.s32 s5, s20  }
0x9d: {  	s8 =	simm.s32 $0x0;
	s21 =	sshll.u32 s6, $0x1;
	s6 =	sadd.s32 s22, s4  }
0x9e: {  	[timem:s8], [sflag:s23] =	dma.local [hbm:s6], s21  }
0x9f: {  	_ =	swait.ge [sflag:s23], s21  }
0xa0: {  	s5 =	ssub.s32 $0x0, s21;
	[sflag:s23] =	ssyncset.done $0x0  }
0xa1: {  	[sflag:s23] =	ssyncadd.s32 s5;
	_ =	sdelay $0x1  }
0xa2: {  	s24 =	simm.s32 $0x1B8B  }
0xa3: {  	_ =	swait.ge [sflag:s24], $0x1  }
0xa4: {  	[sflag:s24] =	ssyncset.done $0x0  }
0xa5: {  	s25 =	simm.s32 $0x1B8E;
	[sflag:s24] =	ssyncadd.s32 $0xFFFFFFFF  }
0xa6: {  	s26 =	simm.s32 $execute0_lowered;
	[smem:$0x3FD2] =	sst s25  }
0xa7: {  	s5 =	sshll.u32 s26, $0x1;
	_ =	strace $0x80000046;
	[dreg:$0x1] =	wrdreg $0xFFFFFFFF  }
0xa8: {  	s28 =	simm.s32 $_size_execute0_lowered;
	s4 =	sadd.s32 s4, s5;
	[dreg:$0x0] =	wrdreg $0x0  }
0xa9: {  	s5 =	sshll.u32 s28, $0x1;
	[dreg:$0x2] =	wrdreg s4  }
0xaa: {  	[dreg:$0x3] =	wrdreg s5  }
0xab: {  	[dreg:$0x4] =	wrdreg $0xC0  }
0xac: {  	_ =	task [dreg:s8], $0x5FFFF  }
0xad: {  	[dreg:$0x1] =	wrdreg $0xFFFFFFFF  }
0xae: {  	[dreg:$0x0] =	wrdreg $0x60  }
0xaf: {  	[dreg:$0x2] =	wrdreg s2  }
0xb0: {  	[dreg:$0x3] =	wrdreg s19  }
0xb1: {  	[dreg:$0x4] =	wrdreg $0x9  }
0xb2: {  	_ =	task.clear_ibuf [dreg:s8], $0x5FFFF;
	_ =	strace $0x90000046  }
0xb3: {  	s29 =	simm.s32 $0x9;
	_ =	strace $0x80000048  }
0xb4: {  	_ =	swait.ge [sflag:s29], $0x1  }
0xb5: {  	[sflag:s29] =	ssyncadd.s32 $0xFFFFFFFF  }
0xb6: {  	_ =	strace $0x90000048  }
0xb7: {  	_ =	sfence  }
0xb8: {  	s30 =	sld [smem:$0x0];
	_ =	sdelay $0x2  }
0xb9: {  	s31 =	sshll.u32 s1, $0xD;
	s1 =	sshrl.u32 s1, $0x2  }
0xba: {  	s3 =	sand.u32 $0x4000, s31;
	s1 =	sadd.s32 s1, s30  }
0xbb: {  	s0 =	sor.u32 s3, s0;
	s1 =	sshll.u32 s1, $0x11  }
0xbc: {  	s0 =	sor.u32 s1, s0  }
0xbd: {  	s0 =	sadd.s32 $0x8F2B, s0  }
0xbe: {  	[sflag:s0] =	ssyncadd.remote.s32 $0x1  }
0xbf: {  	_ =	sfence.sel $0xFFFF  }
0xc0: {  	[dreg:$0x0] =	wrdreg $0xFFFFFFFF;
	(pc) =	sbr.abs _section_cstart, $3  }
0xc1: {  	[dreg:$0x1] =	wrdreg $0xFFFFFFFF  }
0xc2: {  	_ =	task.clear_ibuf [dreg:s8], $0x2FFFF;
	_ =	strace $0x9FFFFFFF  }
0xc3: {  	(tm) =	ssettm $0x7FFFFFFF  }
tec
execute0_lowered:
.L_overlay_start_1:
0x0: {  	(tag) =	ssettag $0x1  }
0x1: {  	v0 =	vimm.s32 $0x221C1610  }
0x2: {  	v1 =	vimm.s32 $0x3A342E28;
	v2 =	vlaneseq.u32;
	vm0 =	vcmask $0x1F10  }
0x3: {  	vm1 =	vcmask $0x1700;
	v4 =	vimm.s32 $0x726C6660;
	v5 =	vimm.s32 $0x27C7670  }
0x4: {  	v8 =	vimm.s32 $0x6A645E58;
	vm10 =	vcmask $0x2B00;
	vm11 =	vcmask $0x300  }
0x5: {  	vm12 =	vcmask $0x1710;
	vm2 =	vcmask $0x704;
	vm13 =	vcmask $0xF00  }
0x6: {  	vm3 =	vcmask $0xB08;
	v3 =	vunpack.c.0.s8.s32 v0;
	v1 =	vunpack.c.0.s8.s32 v1  }
0x7: {  	vm14 =	vcmask $0xF0C;
	vm15 =	vcmask $0x1310;
	v0 =	vmul.u32 $0x6, v2  }
0x8: {  	v2 =	vimm.s32 $0x400;
	v3 =	vsel vm0, v1, v3;
	v1 =	vimm.s32 $0xA047E78  }
0x9: {  	v7 =	vunpack.c.0.s8.s32 v4;
	v6 =	vunpack.c.0.s8.s32 v1;
	v1 =	vimm.s32 $0x1A140E08  }
0xa: {  	v4 =	vunpack.c.0.s8.s32 v5;
	v5 =	vimm.s32 $0x524C4640;
	v9 =	vunpack.c.0.s8.s32 v1  }
0xb: {  	v1 =	vsel vm1, $0x0, v2;
	v2 =	vsel vm0, v6, v7;
	v6 =	vimm.s32 $0x800  }
0xc: {  	v2 =	vcombine.low v2, v3;
	v3 =	vsel vm10, $0x400, v6;
	v6 =	vimm.s32 $0x81A  }
0xd: {  	v8 =	vunpack.c.0.s8.s32 v8;
	v5 =	vunpack.c.0.s8.s32 v5;
	v6 =	vsel vm11, $0x440, v6  }
0xe: {  	vm6 =	vcmask $0x1714;
	vm7 =	vcmask $0x1B18;
	v6 =	vsel vm2, $0x446, v6  }
0xf: {  	s3 =	rddreg [dreg:$0x0];
	v5 =	vsel vm0, v8, v5;
	v8 =	vimm.s32 $0x7E78;
	v6 =	vsel vm3, $0x44C, v6  }
0x10: {  	s1 =	srdreg.scid;
	s0 =	stileid.u32;
	vm8 =	vcmask $0x1F1C;
	v8 =	vunpack.c.0.s8.s32 v8;
	v6 =	vsel vm14, $0x452, v6  }
0x11: {  	s6 =	rddreg [dreg:$0x1];
	s2 =	simm.s32 $0x0;
	vm9 =	vcmask $0x2320;
	s10 =	simm.s32 $0x7800;
	v7 =	vnsel vm13, $0x43A, v7;
	v6 =	vsel vm15, $0x458, v6  }
0x12: {  	s11 =	simm.s32 $0x1;
	s12 =	simm.s32 $0xF000;
	s13 =	simm.s32 $0x2;
	vm13 =	vcmask $0x3330;
	v7 =	vsel vm12, v8, v7;
	v6 =	vsel vm6, $0x45E, v6  }
0x13: {  	s14 =	simm.s32 $0x11800;
	s4 =	sand.u32 $0x1, s1;
	s5 =	sshll.u32 s0, $0x1;
	v4 =	vsel vm0, v9, v4;
	v7 =	vsel vm7, $0x404, v7;
	v6 =	vsel vm7, $0x464, v6  }
0x14: {  	s15 =	simm.s32 $0x3;
	s16 =	simm.s32 $0x4;
	s5 =	sor.u32 s4, s5;
	vm10 =	vcmask $0x2724;
	v7 =	vsel vm8, $0x40A, v7;
	v6 =	vsel vm8, $0x46A, v6  }
0x15: {  	s17 =	simm.s32 $0x0;
	s1 =	rddreg [dreg:$0x2];
	s7 =	smul.u32 $0x14000, s5;
	vm12 =	vcmask $0x2F2C;
	v7 =	vsel vm9, $0x410, v7;
	v6 =	vsel vm9, $0x470, v6  }
0x16: {  	[smem:$0x7FF] =	sst s2;
	s4 =	ssub.s32 $0x2, s4;
	s8 =	smul.u32 $0x5000, s5;
	vm11 =	vcmask $0x2B28;
	v7 =	vsel vm10, $0x416, v7;
	v6 =	vsel vm10, $0x476, v6  }
0x17: {  	_ =	strace $0x80000047;
	s9 =	sshrl.u32 s4, $0x1;
	s5 =	smul.u32 $0xA00, s5;
	v4 =	vcombine.low v5, v4;
	v7 =	vsel vm11, $0x41C, v7;
	v6 =	vsel vm11, $0x47C, v6  }
0x18: {  	s9 =	ssub.s32 s4, s9;
	s7 =	sshrl.u32 s7, $0x3;
	s8 =	sshrl.u32 s8, $0x3;
	v5 =	vadd.s32 $0x20, v0;
	v7 =	vsel vm12, $0x422, v7;
	v6 =	vsel vm12, $0x802, v6  }
0x19: {  	s5 =	sadd.s32 s6, s5;
	s7 =	sadd.s32 s3, s7;
	s6 =	sadd.s32 s6, s8;
	vm14 =	vcmask $0x3734;
	v7 =	vsel vm13, $0x428, v7;
	v6 =	vsel vm13, $0x808, v6  }
0x1a: {  	s8 =	simm.s32 $0xC00;
	s3 =	sadd.s32 $0xB0080, s7;
	s4 =	sadd.s32 $0xB1480, s7;
	vm15 =	vcmask $0x3B38;
	v7 =	vsel vm14, $0x42E, v7;
	v8 =	vsel vm14, $0x80E, v6  }
0x1b: {  	s6 =	sadd.s32 $0x500, s6;
	s7 =	smax.u32 s9, $0x1;
	s9 =	simm.s32 $0x1000;
	v6 =	vsel vm15, $0x434, v7;
	v7 =	vsel vm15, $0x814, v8;
	v8 =	vadd.s32 $0x820, v0  }
.LBB2_1:
0x1c: {  	s18 =	simm.s32 $0x0  }
0x1d: {  	v9 =	vmov s18  }
0x1e: {  	v10 =	vshrl.u32 v9, $0x3  }
0x1f: {  	v9 =	vshll.u32 v9, $0x7;
	v10 =	vmul.u32 $0xC00, v10  }
0x20: {  	v9 =	vand.u32 $0x200, v9  }
0x21: {  	[tilespmem:s2], [sflag:$0x1] =	stream.strided.gather [hbm4b:s3+s8], $0x7800, s9, s8, $0x38;
	v9 =	vor.u32 v9, v10;
	[tilespmem:$0x14000] =	vst v63  }
0x22: {  	v10 =	vor.u32 v0, v9  }
0x23: {  	[tilespmem:s10], [sflag:$0x2] =	stream.strided.gather [hbm4b:s4+s8], $0x7800, s9, s8, $0x38;
	[tilespmem:$0x14000] =	vst v63  }
0x24: {  	_ =	swait.ge [sflag:s11], $0x7800  }
0x25: {  	[sflag:s11] =	ssyncset.done $0x0  }
0x26: {  	[sflag:s11] =	ssyncadd.s32 $0xFFFF8800  }
0x27: {  	v11 =	vadd.s32 v2, v9;
	v10 =	vld.idx.msk [tilespmem:v10+s2+$0x0], $0xffff  }
0x28: {  	v11 =	vadd.s32 v1, v11;
	_ =	sdelay $0x2  }
0x29: {  	s18 =	simm.s32 $0xF100  }
0x2a: {  	[tilespmem:s18+$0xFFFFFF00] =	vst v10  }
0x2b: {  	v10 =	vld.idx.msk [tilespmem:v11+s2+$0x0], $0xffff;
	v11 =	vadd.s32 v4, v9  }
0x2c: {  	v11 =	vadd.s32 v3, v11;
	_ =	sdelay $0x3  }
0x2d: {  	[tilespmem:s18+$0xFFFFFF10] =	vst v10  }
0x2e: {  	v9 =	vor.u32 v5, v9;
	v10 =	vld.idx.msk [tilespmem:v11+s2+$0x0], $0xffff  }
0x2f: {  	s19 =	simm.s32 $0x1;
	v9 =	vadd.s32 $0x800, v9  }
0x30: {  	v11 =	vmov s19  }
0x31: {  	v12 =	vshrl.u32 v11, $0x3  }
0x32: {  	v11 =	vshll.u32 v11, $0x7;
	v12 =	vmul.u32 $0xC00, v12  }
0x33: {  	[tilespmem:s18+$0xFFFFFF20] =	vst v10;
	v10 =	vand.u32 $0x280, v11  }
0x34: {  	v9 =	vld.idx.msk [tilespmem:v9+s2+$0x0], $0xffff;
	v10 =	vor.u32 v10, v12  }
0x35: {  	v11 =	vor.u32 v0, v10;
	_ =	sdelay $0x3  }
0x36: {  	[tilespmem:s18+$0xFFFFFF30] =	vst v9  }
0x37: {  	v9 =	vld.idx.msk [tilespmem:v11+s2+$0x0], $0xffff  }
0x38: {  	v11 =	vadd.s32 v6, v10;
	_ =	sdelay $0x3  }
0x39: {  	[tilespmem:s18+$0xFFFFFF80] =	vst v9  }
0x3a: {  	v9 =	vld.idx.msk [tilespmem:v11+s2+$0x0], $0xffff  }
0x3b: {  	v11 =	vadd.s32 v7, v10;
	_ =	sdelay $0x3  }
0x3c: {  	[tilespmem:s18+$0xFFFFFF90] =	vst v9  }
0x3d: {  	v9 =	vld.idx.msk [tilespmem:v11+s2+$0x0], $0xffff  }
0x3e: {  	s31 =	simm.s32 $0x2;
	v10 =	vadd.s32 v8, v10  }
0x3f: {  	v11 =	vmov s31  }
0x40: {  	v62 =	vshrl.u32 v11, $0x3  }
0x41: {  	v11 =	vshll.u32 v11, $0x7;
	v12 =	vmul.u32 $0xC00, v62  }
0x42: {  	[tilespmem:s18+$0xFFFFFFA0] =	vst v9;
	v9 =	vand.u32 $0x300, v11  }
0x43: {  	v10 =	vld.idx.msk [tilespmem:v10+s2+$0x0], $0xffff;
	v9 =	vor.u32 v9, v12  }
0x44: {  	v11 =	vor.u32 v0, v9;
	_ =	sdelay $0x3  }
0x45: {  	[tilespmem:s18+$0xFFFFFFB0] =	vst v10  }
0x46: {  	v10 =	vld.idx.msk [tilespmem:v11+s2+$0x0], $0xffff  }
0x47: {  	v11 =	vadd.s32 v6, v9;
	_ =	sdelay $0x3  }
0x48: {  	[tilespmem:s18+$0x0] =	vst v10  }
0x49: {  	v10 =	vld.idx.msk [tilespmem:v11+s2+$0x0], $0xffff  }
0x4a: {  	v11 =	vadd.s32 v7, v9;
	_ =	sdelay $0x3  }
0x4b: {  	[tilespmem:s18+$0x10] =	vst v10  }
0x4c: {  	v10 =	vld.idx.msk [tilespmem:v11+s2+$0x0], $0xffff  }
0x4d: {  	v9 =	vadd.s32 v8, v9  }
0x4e: {  	v11 =	vmov s15  }
0x4f: {  	v63 =	vshrl.u32 v11, $0x3  }
0x50: {  	v11 =	vshll.u32 v11, $0x7;
	v12 =	vmul.u32 $0xC00, v63  }
0x51: {  	[tilespmem:s18+$0x20] =	vst v10;
	v10 =	vand.u32 $0x380, v11  }
0x52: {  	v9 =	vld.idx.msk [tilespmem:v9+s2+$0x0], $0xffff;
	v11 =	vor.u32 v10, v12  }
0x53: {  	v10 =	vor.u32 v0, v11;
	_ =	sdelay $0x3  }
0x54: {  	[tilespmem:s18+$0x30] =	vst v9  }
0x55: {  	v9 =	vld.idx.msk [tilespmem:v10+s2+$0x0], $0xffff  }
0x56: {  	v10 =	vadd.s32 v6, v11;
	_ =	sdelay $0x3  }
0x57: {  	[tilespmem:s18+$0x80] =	vst v9  }
0x58: {  	v9 =	vld.idx.msk [tilespmem:v10+s2+$0x0], $0xffff  }
0x59: {  	v10 =	vadd.s32 v7, v11;
	_ =	sdelay $0x3  }
0x5a: {  	[tilespmem:s18+$0x90] =	vst v9  }
0x5b: {  	v10 =	vld.idx.msk [tilespmem:v10+s2+$0x0], $0xffff  }
0x5c: {  	v9 =	vadd.s32 v8, v11  }
0x5d: {  	s21 =	simm.s32 $0x4;
	s20 =	simm.s32 $0xB;
	s19 =	simm.s32 $0x7  }
.LBB2_2:
0x5e: {  	p0 =	sne.s32 s20, $0x4F;
	v11 =	vmov s21  }
0x5f: {  	v12 =	vshrl.u32 v11, $0x3  }
0x60: {  	v11 =	vshll.u32 v11, $0x7;
	v12 =	vmul.u32 $0xC00, v12;
	[tilespmem:s18+$0xA0] =	vst v10  }
0x61: {  	v10 =	vand.u32 $0x200, v11;
	v9 =	vld.idx.msk [tilespmem:v9+s2+$0x0], $0xffff  }
0x62: {  	v10 =	vor.u32 v10, v12  }
0x63: {  	v11 =	vor.u32 v0, v10;
	_ =	sdelay $0x3  }
0x64: {  	[tilespmem:s18+$0xB0] =	vst v9  }
0x65: {  	v9 =	vld.idx.msk [tilespmem:v11+s2+$0x0], $0xffff  }
0x66: {  	v11 =	vadd.s32 v2, v10  }
0x67: {  	v11 =	vadd.s32 v1, v11;
	_ =	sdelay $0x2  }
0x68: {  	s18 =	sadd.s32 $0x200, s18  }
0x69: {  	[tilespmem:s18+$0xFFFFFF00] =	vst v9  }
0x6a: {  	v9 =	vld.idx.msk [tilespmem:v11+s2+$0x0], $0xffff  }
0x6b: {  	v11 =	vadd.s32 v4, v10  }
0x6c: {  	v11 =	vadd.s32 v3, v11;
	_ =	sdelay $0x3  }
0x6d: {  	[tilespmem:s18+$0xFFFFFF10] =	vst v9  }
0x6e: {  	v9 =	vld.idx.msk [tilespmem:v11+s2+$0x0], $0xffff  }
0x6f: {  	v10 =	vor.u32 v5, v10  }
0x70: {  	v10 =	vadd.s32 $0x800, v10  }
0x71: {  	s21 =	sadd.s32 $0xFFFFFFFE, s19  }
0x72: {  	v11 =	vmov s21  }
0x73: {  	v12 =	vshrl.u32 v11, $0x3  }
0x74: {  	v11 =	vshll.u32 v11, $0x7;
	[tilespmem:s18+$0xFFFFFF20] =	vst v9;
	v9 =	vmul.u32 $0xC00, v12  }
0x75: {  	v11 =	vand.u32 $0x280, v11;
	v10 =	vld.idx.msk [tilespmem:v10+s2+$0x0], $0xffff  }
0x76: {  	v9 =	vor.u32 v11, v9  }
0x77: {  	v11 =	vor.u32 v0, v9;
	_ =	sdelay $0x3  }
0x78: {  	[tilespmem:s18+$0xFFFFFF30] =	vst v10  }
0x79: {  	v10 =	vld.idx.msk [tilespmem:v11+s2+$0x0], $0xffff;
	_ =	sdelay $0x1  }
0x7a: {  	v11 =	vadd.s32 v6, v9;
	_ =	sdelay $0x3  }
0x7b: {  	[tilespmem:s18+$0xFFFFFF80] =	vst v10  }
0x7c: {  	v10 =	vld.idx.msk [tilespmem:v11+s2+$0x0], $0xffff;
	_ =	sdelay $0x1  }
0x7d: {  	v11 =	vadd.s32 v7, v9;
	_ =	sdelay $0x3  }
0x7e: {  	[tilespmem:s18+$0xFFFFFF90] =	vst v10  }
0x7f: {  	v10 =	vld.idx.msk [tilespmem:v11+s2+$0x0], $0xffff;
	_ =	sdelay $0x1  }
0x80: {  	v9 =	vadd.s32 v8, v9  }
0x81: {  	s21 =	sadd.s32 $0xFFFFFFFF, s19  }
0x82: {  	v11 =	vmov s21  }
0x83: {  	v12 =	vshrl.u32 v11, $0x3  }
0x84: {  	v11 =	vshll.u32 v11, $0x7;
	[tilespmem:s18+$0xFFFFFFA0] =	vst v10;
	v10 =	vmul.u32 $0xC00, v12  }
0x85: {  	v11 =	vand.u32 $0x300, v11;
	v9 =	vld.idx.msk [tilespmem:v9+s2+$0x0], $0xffff  }
0x86: {  	v10 =	vor.u32 v11, v10  }
0x87: {  	v11 =	vor.u32 v0, v10;
	_ =	sdelay $0x3  }
0x88: {  	[tilespmem:s18+$0xFFFFFFB0] =	vst v9  }
0x89: {  	v9 =	vld.idx.msk [tilespmem:v11+s2+$0x0], $0xffff;
	_ =	sdelay $0x1  }
0x8a: {  	v11 =	vadd.s32 v6, v10;
	_ =	sdelay $0x3  }
0x8b: {  	[tilespmem:s18+$0x0] =	vst v9  }
0x8c: {  	v9 =	vld.idx.msk [tilespmem:v11+s2+$0x0], $0xffff;
	_ =	sdelay $0x1  }
0x8d: {  	v11 =	vadd.s32 v7, v10;
	_ =	sdelay $0x3  }
0x8e: {  	[tilespmem:s18+$0x10] =	vst v9  }
0x8f: {  	v9 =	vld.idx.msk [tilespmem:v11+s2+$0x0], $0xffff;
	_ =	sdelay $0x1  }
0x90: {  	v10 =	vadd.s32 v8, v10;
	_ =	sdelay $0x1  }
0x91: {  	v11 =	vmov s19;
	s19 =	smov.u32 s20  }
0x92: {  	v12 =	vshrl.u32 v11, $0x3  }
0x93: {  	v11 =	vshll.u32 v11, $0x7;
	[tilespmem:s18+$0x20] =	vst v9;
	v9 =	vmul.u32 $0xC00, v12  }
0x94: {  	v11 =	vand.u32 $0x380, v11;
	v10 =	vld.idx.msk [tilespmem:v10+s2+$0x0], $0xffff  }
0x95: {  	v9 =	vor.u32 v11, v9  }
0x96: {  	v11 =	vor.u32 v0, v9;
	_ =	sdelay $0x3  }
0x97: {  	[tilespmem:s18+$0x30] =	vst v10  }
0x98: {  	v10 =	vld.idx.msk [tilespmem:v11+s2+$0x0], $0xffff;
	_ =	sdelay $0x1  }
0x99: {  	v11 =	vadd.s32 v6, v9;
	_ =	sdelay $0x3  }
0x9a: {  	[tilespmem:s18+$0x80] =	vst v10  }
0x9b: {  	v10 =	vld.idx.msk [tilespmem:v11+s2+$0x0], $0xffff;
	_ =	sdelay $0x1  }
0x9c: {  	v11 =	vadd.s32 v7, v9;
	_ =	sdelay $0x3  }
.Ltmp0:
0x9d: {  	[tilespmem:s18+$0x90] =	vst v10;
	(pc) =	sbr.rel @p0 .LBB2_2-.Ltmp0, $3  }
0x9e: {  	v10 =	vld.idx.msk [tilespmem:v11+s2+$0x0], $0xffff;
	_ =	sdelay $0x1  }
0x9f: {  	v9 =	vadd.s32 v8, v9  }
0xa0: {  	s20 =	sadd.s32 $0x4, s20;
	s21 =	sadd.s32 $0xFFFFFFFD, s19  }
0xa1: {  	v11 =	vmov s21  }
0xa2: {  	v12 =	vshrl.u32 v11, $0x3  }
0xa3: {  	v11 =	vshll.u32 v11, $0x7;
	v12 =	vmul.u32 $0xC00, v12  }
0xa4: {  	[tilespmem:s18+$0xA0] =	vst v10;
	v10 =	vand.u32 $0x200, v11  }
0xa5: {  	v9 =	vld.idx.msk [tilespmem:v9+s2+$0x0], $0xffff;
	v10 =	vor.u32 v10, v12  }
0xa6: {  	v11 =	vor.u32 v0, v10;
	_ =	sdelay $0x3  }
0xa7: {  	[tilespmem:s18+$0xB0] =	vst v9  }
0xa8: {  	v9 =	vld.idx.msk [tilespmem:v11+s2+$0x0], $0xffff;
	v11 =	vadd.s32 v2, v10  }
0xa9: {  	v11 =	vadd.s32 v1, v11;
	_ =	sdelay $0x2  }
0xaa: {  	s25 =	sadd.s32 $0x200, s18  }
0xab: {  	[tilespmem:s25+$0xFFFFFF00] =	vst v9  }
0xac: {  	v9 =	vld.idx.msk [tilespmem:v11+s2+$0x0], $0xffff;
	v11 =	vadd.s32 v4, v10  }
0xad: {  	v11 =	vadd.s32 v3, v11;
	_ =	sdelay $0x3  }
0xae: {  	[tilespmem:s25+$0xFFFFFF10] =	vst v9  }
0xaf: {  	v10 =	vor.u32 v5, v10;
	v9 =	vld.idx.msk [tilespmem:v11+s2+$0x0], $0xffff  }
0xb0: {  	s20 =	sadd.s32 $0xFFFFFFFE, s19;
	v10 =	vadd.s32 $0x800, v10  }
0xb1: {  	v11 =	vmov s20  }
0xb2: {  	v58 =	vshrl.u32 v11, $0x3  }
0xb3: {  	v11 =	vshll.u32 v11, $0x7;
	v12 =	vmul.u32 $0xC00, v58  }
0xb4: {  	[tilespmem:s25+$0xFFFFFF20] =	vst v9;
	v9 =	vand.u32 $0x280, v11  }
0xb5: {  	v10 =	vld.idx.msk [tilespmem:v10+s2+$0x0], $0xffff;
	v9 =	vor.u32 v9, v12  }
0xb6: {  	v11 =	vor.u32 v0, v9;
	_ =	sdelay $0x3  }
0xb7: {  	[tilespmem:s25+$0xFFFFFF30] =	vst v10  }
0xb8: {  	v10 =	vld.idx.msk [tilespmem:v11+s2+$0x0], $0xffff  }
0xb9: {  	v11 =	vadd.s32 v6, v9;
	_ =	sdelay $0x3  }
0xba: {  	[tilespmem:s25+$0xFFFFFF80] =	vst v10  }
0xbb: {  	v10 =	vld.idx.msk [tilespmem:v11+s2+$0x0], $0xffff  }
0xbc: {  	v11 =	vadd.s32 v7, v9;
	_ =	sdelay $0x3  }
0xbd: {  	[tilespmem:s25+$0xFFFFFF90] =	vst v10  }
0xbe: {  	v10 =	vld.idx.msk [tilespmem:v11+s2+$0x0], $0xffff  }
0xbf: {  	s26 =	sadd.s32 $0xFFFFFFFF, s19;
	v9 =	vadd.s32 v8, v9  }
0xc0: {  	v11 =	vmov s26  }
0xc1: {  	v59 =	vshrl.u32 v11, $0x3  }
0xc2: {  	v11 =	vshll.u32 v11, $0x7;
	v12 =	vmul.u32 $0xC00, v59  }
0xc3: {  	[tilespmem:s25+$0xFFFFFFA0] =	vst v10;
	v10 =	vand.u32 $0x300, v11  }
0xc4: {  	v9 =	vld.idx.msk [tilespmem:v9+s2+$0x0], $0xffff;
	v10 =	vor.u32 v10, v12  }
0xc5: {  	v11 =	vor.u32 v0, v10;
	_ =	sdelay $0x3  }
0xc6: {  	[tilespmem:s25+$0xFFFFFFB0] =	vst v9  }
0xc7: {  	v9 =	vld.idx.msk [tilespmem:v11+s2+$0x0], $0xffff  }
0xc8: {  	v11 =	vadd.s32 v6, v10;
	_ =	sdelay $0x3  }
0xc9: {  	[tilespmem:s25+$0x0] =	vst v9  }
0xca: {  	v9 =	vld.idx.msk [tilespmem:v11+s2+$0x0], $0xffff  }
0xcb: {  	v11 =	vadd.s32 v7, v10;
	_ =	sdelay $0x3  }
0xcc: {  	[tilespmem:s25+$0x10] =	vst v9  }
0xcd: {  	v9 =	vld.idx.msk [tilespmem:v11+s2+$0x0], $0xffff  }
0xce: {  	v10 =	vadd.s32 v8, v10  }
0xcf: {  	v11 =	vmov s19  }
0xd0: {  	v60 =	vshrl.u32 v11, $0x3  }
0xd1: {  	v11 =	vshll.u32 v11, $0x7;
	v12 =	vmul.u32 $0xC00, v60  }
0xd2: {  	[tilespmem:s25+$0x20] =	vst v9;
	v9 =	vand.u32 $0x380, v11  }
0xd3: {  	v10 =	vld.idx.msk [tilespmem:v10+s2+$0x0], $0xffff;
	v9 =	vor.u32 v9, v12  }
0xd4: {  	v11 =	vor.u32 v0, v9;
	_ =	sdelay $0x3  }
0xd5: {  	[tilespmem:s25+$0x30] =	vst v10  }
0xd6: {  	v10 =	vld.idx.msk [tilespmem:v11+s2+$0x0], $0xffff  }
0xd7: {  	v11 =	vadd.s32 v6, v9;
	_ =	sdelay $0x3  }
0xd8: {  	[tilespmem:s25+$0x80] =	vst v10  }
0xd9: {  	v10 =	vld.idx.msk [tilespmem:v11+s2+$0x0], $0xffff  }
0xda: {  	v11 =	vadd.s32 v7, v9;
	_ =	sdelay $0x3  }
0xdb: {  	[tilespmem:s25+$0x90] =	vst v10  }
0xdc: {  	v10 =	vld.idx.msk [tilespmem:v11+s2+$0x0], $0xffff  }
0xdd: {  	v9 =	vadd.s32 v8, v9;
	_ =	sdelay $0x3  }
0xde: {  	s28 =	simm.s32 $0x0;
	[tilespmem:s25+$0xA0] =	vst v10  }
0xdf: {  	v10 =	vmov s28;
	v9 =	vld.idx.msk [tilespmem:v9+s2+$0x0], $0xffff  }
0xe0: {  	v11 =	vshrl.u32 v10, $0x3  }
0xe1: {  	v10 =	vshll.u32 v10, $0x7;
	v11 =	vmul.u32 $0xC00, v11  }
0xe2: {  	v10 =	vand.u32 $0x200, v10  }
0xe3: {  	v10 =	vor.u32 v10, v11  }
0xe4: {  	[tilespmem:s25+$0xB0] =	vst v9;
	v9 =	vor.u32 v0, v10  }
0xe5: {  	[hbm4b:s5+s2] =	stream.linear.scatter [tilespmem:s12], [sflag:$0x3], $0x2800, $0x38;
	[tilespmem:$0x14000] =	vst v63  }
0xe6: {  	_ =	swait.ge [sflag:s13], $0x7800  }
0xe7: {  	[sflag:s13] =	ssyncset.done $0x0  }
0xe8: {  	[sflag:s13] =	ssyncadd.s32 $0xFFFF8800  }
0xe9: {  	v11 =	vadd.s32 v2, v10;
	v9 =	vld.idx.msk [tilespmem:v9+s10+$0x0], $0xffff  }
0xea: {  	v11 =	vadd.s32 v1, v11;
	_ =	sdelay $0x2  }
0xeb: {  	s18 =	simm.s32 $0x11900  }
0xec: {  	[tilespmem:s18+$0xFFFFFF00] =	vst v9  }
0xed: {  	v9 =	vld.idx.msk [tilespmem:v11+s10+$0x0], $0xffff;
	v11 =	vadd.s32 v4, v10  }
0xee: {  	v11 =	vadd.s32 v3, v11;
	_ =	sdelay $0x3  }
0xef: {  	[tilespmem:s18+$0xFFFFFF10] =	vst v9  }
0xf0: {  	v10 =	vor.u32 v5, v10;
	v9 =	vld.idx.msk [tilespmem:v11+s10+$0x0], $0xffff  }
0xf1: {  	s29 =	simm.s32 $0x1;
	v10 =	vadd.s32 $0x800, v10  }
0xf2: {  	v11 =	vmov s29  }
0xf3: {  	v61 =	vshrl.u32 v11, $0x3  }
0xf4: {  	v11 =	vshll.u32 v11, $0x7;
	v12 =	vmul.u32 $0xC00, v61  }
0xf5: {  	[tilespmem:s18+$0xFFFFFF20] =	vst v9;
	v9 =	vand.u32 $0x280, v11  }
0xf6: {  	v10 =	vld.idx.msk [tilespmem:v10+s10+$0x0], $0xffff;
	v9 =	vor.u32 v9, v12  }
0xf7: {  	v11 =	vor.u32 v0, v9;
	_ =	sdelay $0x3  }
0xf8: {  	[tilespmem:s18+$0xFFFFFF30] =	vst v10  }
0xf9: {  	v10 =	vld.idx.msk [tilespmem:v11+s10+$0x0], $0xffff  }
0xfa: {  	v11 =	vadd.s32 v6, v9;
	_ =	sdelay $0x3  }
0xfb: {  	[tilespmem:s18+$0xFFFFFF80] =	vst v10  }
0xfc: {  	v10 =	vld.idx.msk [tilespmem:v11+s10+$0x0], $0xffff  }
0xfd: {  	v11 =	vadd.s32 v7, v9;
	_ =	sdelay $0x3  }
0xfe: {  	[tilespmem:s18+$0xFFFFFF90] =	vst v10  }
0xff: {  	v10 =	vld.idx.msk [tilespmem:v11+s10+$0x0], $0xffff  }
0x100: {  	s30 =	simm.s32 $0x2;
	v9 =	vadd.s32 v8, v9  }
0x101: {  	v11 =	vmov s30  }
0x102: {  	v62 =	vshrl.u32 v11, $0x3  }
0x103: {  	v11 =	vshll.u32 v11, $0x7;
	v12 =	vmul.u32 $0xC00, v62  }
0x104: {  	[tilespmem:s18+$0xFFFFFFA0] =	vst v10;
	v10 =	vand.u32 $0x300, v11  }
0x105: {  	v9 =	vld.idx.msk [tilespmem:v9+s10+$0x0], $0xffff;
	v10 =	vor.u32 v10, v12  }
0x106: {  	v11 =	vor.u32 v0, v10;
	_ =	sdelay $0x3  }
0x107: {  	[tilespmem:s18+$0xFFFFFFB0] =	vst v9  }
0x108: {  	v9 =	vld.idx.msk [tilespmem:v11+s10+$0x0], $0xffff  }
0x109: {  	v11 =	vadd.s32 v6, v10;
	_ =	sdelay $0x3  }
0x10a: {  	[tilespmem:s18+$0x0] =	vst v9  }
0x10b: {  	v9 =	vld.idx.msk [tilespmem:v11+s10+$0x0], $0xffff  }
0x10c: {  	v11 =	vadd.s32 v7, v10;
	_ =	sdelay $0x3  }
0x10d: {  	[tilespmem:s18+$0x10] =	vst v9  }
0x10e: {  	v9 =	vld.idx.msk [tilespmem:v11+s10+$0x0], $0xffff  }
0x10f: {  	s31 =	simm.s32 $0x3;
	v10 =	vadd.s32 v8, v10  }
0x110: {  	v11 =	vmov s31  }
0x111: {  	v63 =	vshrl.u32 v11, $0x3  }
0x112: {  	v11 =	vshll.u32 v11, $0x7;
	v12 =	vmul.u32 $0xC00, v63  }
0x113: {  	[tilespmem:s18+$0x20] =	vst v9;
	v9 =	vand.u32 $0x380, v11  }
0x114: {  	v10 =	vld.idx.msk [tilespmem:v10+s10+$0x0], $0xffff;
	v9 =	vor.u32 v9, v12  }
0x115: {  	v11 =	vor.u32 v0, v9;
	_ =	sdelay $0x3  }
0x116: {  	[tilespmem:s18+$0x30] =	vst v10  }
0x117: {  	v10 =	vld.idx.msk [tilespmem:v11+s10+$0x0], $0xffff  }
0x118: {  	v11 =	vadd.s32 v6, v9;
	_ =	sdelay $0x3  }
0x119: {  	[tilespmem:s18+$0x80] =	vst v10  }
0x11a: {  	v10 =	vld.idx.msk [tilespmem:v11+s10+$0x0], $0xffff  }
0x11b: {  	v11 =	vadd.s32 v7, v9;
	_ =	sdelay $0x3  }
0x11c: {  	[tilespmem:s18+$0x90] =	vst v10  }
0x11d: {  	v10 =	vld.idx.msk [tilespmem:v11+s10+$0x0], $0xffff  }
0x11e: {  	v9 =	vadd.s32 v8, v9  }
0x11f: {  	s21 =	simm.s32 $0x4;
	s20 =	simm.s32 $0xB;
	s19 =	simm.s32 $0x7  }
.LBB2_4:
0x120: {  	p0 =	sne.s32 s20, $0x4F;
	v11 =	vmov s21  }
0x121: {  	v12 =	vshrl.u32 v11, $0x3  }
0x122: {  	v11 =	vshll.u32 v11, $0x7;
	v12 =	vmul.u32 $0xC00, v12;
	[tilespmem:s18+$0xA0] =	vst v10  }
0x123: {  	v10 =	vand.u32 $0x200, v11;
	v9 =	vld.idx.msk [tilespmem:v9+s10+$0x0], $0xffff  }
0x124: {  	v10 =	vor.u32 v10, v12  }
0x125: {  	v11 =	vor.u32 v0, v10;
	_ =	sdelay $0x3  }
0x126: {  	[tilespmem:s18+$0xB0] =	vst v9  }
0x127: {  	v9 =	vld.idx.msk [tilespmem:v11+s10+$0x0], $0xffff  }
0x128: {  	v11 =	vadd.s32 v2, v10  }
0x129: {  	v11 =	vadd.s32 v1, v11;
	_ =	sdelay $0x2  }
0x12a: {  	s18 =	sadd.s32 $0x200, s18  }
0x12b: {  	[tilespmem:s18+$0xFFFFFF00] =	vst v9  }
0x12c: {  	v9 =	vld.idx.msk [tilespmem:v11+s10+$0x0], $0xffff  }
0x12d: {  	v11 =	vadd.s32 v4, v10  }
0x12e: {  	v11 =	vadd.s32 v3, v11;
	_ =	sdelay $0x3  }
0x12f: {  	[tilespmem:s18+$0xFFFFFF10] =	vst v9  }
0x130: {  	v9 =	vld.idx.msk [tilespmem:v11+s10+$0x0], $0xffff  }
0x131: {  	v10 =	vor.u32 v5, v10  }
0x132: {  	v10 =	vadd.s32 $0x800, v10  }
0x133: {  	s21 =	sadd.s32 $0xFFFFFFFE, s19  }
0x134: {  	v11 =	vmov s21  }
0x135: {  	v12 =	vshrl.u32 v11, $0x3  }
0x136: {  	v11 =	vshll.u32 v11, $0x7;
	[tilespmem:s18+$0xFFFFFF20] =	vst v9;
	v9 =	vmul.u32 $0xC00, v12  }
0x137: {  	v11 =	vand.u32 $0x280, v11;
	v10 =	vld.idx.msk [tilespmem:v10+s10+$0x0], $0xffff  }
0x138: {  	v9 =	vor.u32 v11, v9  }
0x139: {  	v11 =	vor.u32 v0, v9;
	_ =	sdelay $0x3  }
0x13a: {  	[tilespmem:s18+$0xFFFFFF30] =	vst v10  }
0x13b: {  	v10 =	vld.idx.msk [tilespmem:v11+s10+$0x0], $0xffff;
	_ =	sdelay $0x1  }
0x13c: {  	v11 =	vadd.s32 v6, v9;
	_ =	sdelay $0x3  }
0x13d: {  	[tilespmem:s18+$0xFFFFFF80] =	vst v10  }
0x13e: {  	v10 =	vld.idx.msk [tilespmem:v11+s10+$0x0], $0xffff;
	_ =	sdelay $0x1  }
0x13f: {  	v11 =	vadd.s32 v7, v9;
	_ =	sdelay $0x3  }
0x140: {  	[tilespmem:s18+$0xFFFFFF90] =	vst v10  }
0x141: {  	v10 =	vld.idx.msk [tilespmem:v11+s10+$0x0], $0xffff;
	_ =	sdelay $0x1  }
0x142: {  	v9 =	vadd.s32 v8, v9  }
0x143: {  	s21 =	sadd.s32 $0xFFFFFFFF, s19  }
0x144: {  	v11 =	vmov s21  }
0x145: {  	v12 =	vshrl.u32 v11, $0x3  }
0x146: {  	v11 =	vshll.u32 v11, $0x7;
	[tilespmem:s18+$0xFFFFFFA0] =	vst v10;
	v10 =	vmul.u32 $0xC00, v12  }
0x147: {  	v11 =	vand.u32 $0x300, v11;
	v9 =	vld.idx.msk [tilespmem:v9+s10+$0x0], $0xffff  }
0x148: {  	v10 =	vor.u32 v11, v10  }
0x149: {  	v11 =	vor.u32 v0, v10;
	_ =	sdelay $0x3  }
0x14a: {  	[tilespmem:s18+$0xFFFFFFB0] =	vst v9  }
0x14b: {  	v9 =	vld.idx.msk [tilespmem:v11+s10+$0x0], $0xffff;
	_ =	sdelay $0x1  }
0x14c: {  	v11 =	vadd.s32 v6, v10;
	_ =	sdelay $0x3  }
0x14d: {  	[tilespmem:s18+$0x0] =	vst v9  }
0x14e: {  	v9 =	vld.idx.msk [tilespmem:v11+s10+$0x0], $0xffff;
	_ =	sdelay $0x1  }
0x14f: {  	v11 =	vadd.s32 v7, v10;
	_ =	sdelay $0x3  }
0x150: {  	[tilespmem:s18+$0x10] =	vst v9  }
0x151: {  	v9 =	vld.idx.msk [tilespmem:v11+s10+$0x0], $0xffff;
	_ =	sdelay $0x1  }
0x152: {  	v10 =	vadd.s32 v8, v10;
	_ =	sdelay $0x1  }
0x153: {  	v11 =	vmov s19;
	s19 =	smov.u32 s20  }
0x154: {  	v12 =	vshrl.u32 v11, $0x3  }
0x155: {  	v11 =	vshll.u32 v11, $0x7;
	[tilespmem:s18+$0x20] =	vst v9;
	v9 =	vmul.u32 $0xC00, v12  }
0x156: {  	v11 =	vand.u32 $0x380, v11;
	v10 =	vld.idx.msk [tilespmem:v10+s10+$0x0], $0xffff  }
0x157: {  	v9 =	vor.u32 v11, v9  }
0x158: {  	v11 =	vor.u32 v0, v9;
	_ =	sdelay $0x3  }
0x159: {  	[tilespmem:s18+$0x30] =	vst v10  }
0x15a: {  	v10 =	vld.idx.msk [tilespmem:v11+s10+$0x0], $0xffff;
	_ =	sdelay $0x1  }
0x15b: {  	v11 =	vadd.s32 v6, v9;
	_ =	sdelay $0x3  }
0x15c: {  	[tilespmem:s18+$0x80] =	vst v10  }
0x15d: {  	v10 =	vld.idx.msk [tilespmem:v11+s10+$0x0], $0xffff;
	_ =	sdelay $0x1  }
0x15e: {  	v11 =	vadd.s32 v7, v9;
	_ =	sdelay $0x3  }
.Ltmp1:
0x15f: {  	[tilespmem:s18+$0x90] =	vst v10;
	(pc) =	sbr.rel @p0 .LBB2_4-.Ltmp1, $3  }
0x160: {  	v10 =	vld.idx.msk [tilespmem:v11+s10+$0x0], $0xffff;
	_ =	sdelay $0x1  }
0x161: {  	v9 =	vadd.s32 v8, v9  }
0x162: {  	s20 =	sadd.s32 $0x4, s20;
	s21 =	sadd.s32 $0xFFFFFFFD, s19  }
0x163: {  	v11 =	vmov s21  }
0x164: {  	v12 =	vshrl.u32 v11, $0x3  }
0x165: {  	v11 =	vshll.u32 v11, $0x7;
	v12 =	vmul.u32 $0xC00, v12  }
0x166: {  	[tilespmem:s18+$0xA0] =	vst v10;
	v10 =	vand.u32 $0x200, v11  }
0x167: {  	v9 =	vld.idx.msk [tilespmem:v9+s10+$0x0], $0xffff;
	v10 =	vor.u32 v10, v12  }
0x168: {  	v11 =	vor.u32 v0, v10;
	_ =	sdelay $0x3  }
0x169: {  	[tilespmem:s18+$0xB0] =	vst v9  }
0x16a: {  	v9 =	vld.idx.msk [tilespmem:v11+s10+$0x0], $0xffff;
	v11 =	vadd.s32 v2, v10  }
0x16b: {  	v11 =	vadd.s32 v1, v11;
	_ =	sdelay $0x2  }
0x16c: {  	s30 =	sadd.s32 $0x200, s18  }
0x16d: {  	[tilespmem:s30+$0xFFFFFF00] =	vst v9  }
0x16e: {  	v9 =	vld.idx.msk [tilespmem:v11+s10+$0x0], $0xffff;
	v11 =	vadd.s32 v4, v10  }
0x16f: {  	v11 =	vadd.s32 v3, v11;
	_ =	sdelay $0x3  }
0x170: {  	[tilespmem:s30+$0xFFFFFF10] =	vst v9  }
0x171: {  	v10 =	vor.u32 v5, v10;
	v9 =	vld.idx.msk [tilespmem:v11+s10+$0x0], $0xffff  }
0x172: {  	s20 =	sadd.s32 $0xFFFFFFFE, s19;
	v10 =	vadd.s32 $0x800, v10  }
0x173: {  	v11 =	vmov s20  }
0x174: {  	v61 =	vshrl.u32 v11, $0x3  }
0x175: {  	v11 =	vshll.u32 v11, $0x7;
	v12 =	vmul.u32 $0xC00, v61  }
0x176: {  	[tilespmem:s30+$0xFFFFFF20] =	vst v9;
	v9 =	vand.u32 $0x280, v11  }
0x177: {  	v10 =	vld.idx.msk [tilespmem:v10+s10+$0x0], $0xffff;
	v9 =	vor.u32 v9, v12  }
0x178: {  	v11 =	vor.u32 v0, v9;
	_ =	sdelay $0x3  }
0x179: {  	[tilespmem:s30+$0xFFFFFF30] =	vst v10  }
0x17a: {  	v10 =	vld.idx.msk [tilespmem:v11+s10+$0x0], $0xffff  }
0x17b: {  	v11 =	vadd.s32 v6, v9;
	_ =	sdelay $0x3  }
0x17c: {  	[tilespmem:s30+$0xFFFFFF80] =	vst v10  }
0x17d: {  	v10 =	vld.idx.msk [tilespmem:v11+s10+$0x0], $0xffff  }
0x17e: {  	v11 =	vadd.s32 v7, v9;
	_ =	sdelay $0x3  }
0x17f: {  	[tilespmem:s30+$0xFFFFFF90] =	vst v10  }
0x180: {  	v10 =	vld.idx.msk [tilespmem:v11+s10+$0x0], $0xffff  }
0x181: {  	s31 =	sadd.s32 $0xFFFFFFFF, s19;
	v9 =	vadd.s32 v8, v9  }
0x182: {  	v11 =	vmov s31  }
0x183: {  	v62 =	vshrl.u32 v11, $0x3  }
0x184: {  	v11 =	vshll.u32 v11, $0x7;
	v12 =	vmul.u32 $0xC00, v62  }
0x185: {  	[tilespmem:s30+$0xFFFFFFA0] =	vst v10;
	v10 =	vand.u32 $0x300, v11  }
0x186: {  	v9 =	vld.idx.msk [tilespmem:v9+s10+$0x0], $0xffff;
	v10 =	vor.u32 v10, v12  }
0x187: {  	v11 =	vor.u32 v0, v10;
	_ =	sdelay $0x3  }
0x188: {  	[tilespmem:s30+$0xFFFFFFB0] =	vst v9  }
0x189: {  	v9 =	vld.idx.msk [tilespmem:v11+s10+$0x0], $0xffff  }
0x18a: {  	v11 =	vadd.s32 v6, v10;
	_ =	sdelay $0x3  }
0x18b: {  	[tilespmem:s30+$0x0] =	vst v9  }
0x18c: {  	v9 =	vld.idx.msk [tilespmem:v11+s10+$0x0], $0xffff  }
0x18d: {  	v11 =	vadd.s32 v7, v10;
	_ =	sdelay $0x3  }
0x18e: {  	[tilespmem:s30+$0x10] =	vst v9  }
0x18f: {  	v9 =	vld.idx.msk [tilespmem:v11+s10+$0x0], $0xffff  }
0x190: {  	v10 =	vadd.s32 v8, v10  }
0x191: {  	v11 =	vmov s19  }
0x192: {  	v63 =	vshrl.u32 v11, $0x3  }
0x193: {  	v11 =	vshll.u32 v11, $0x7;
	v12 =	vmul.u32 $0xC00, v63  }
0x194: {  	[tilespmem:s30+$0x20] =	vst v9;
	v9 =	vand.u32 $0x380, v11  }
0x195: {  	v10 =	vld.idx.msk [tilespmem:v10+s10+$0x0], $0xffff;
	v9 =	vor.u32 v9, v12  }
0x196: {  	v11 =	vor.u32 v0, v9;
	_ =	sdelay $0x3  }
0x197: {  	[tilespmem:s30+$0x30] =	vst v10  }
0x198: {  	v10 =	vld.idx.msk [tilespmem:v11+s10+$0x0], $0xffff  }
0x199: {  	v11 =	vadd.s32 v6, v9;
	_ =	sdelay $0x3  }
0x19a: {  	[tilespmem:s30+$0x80] =	vst v10  }
0x19b: {  	v10 =	vld.idx.msk [tilespmem:v11+s10+$0x0], $0xffff  }
0x19c: {  	v11 =	vadd.s32 v7, v9;
	_ =	sdelay $0x3  }
0x19d: {  	[tilespmem:s30+$0x90] =	vst v10  }
0x19e: {  	v10 =	vld.idx.msk [tilespmem:v11+s10+$0x0], $0xffff  }
0x19f: {  	v9 =	vadd.s32 v8, v9;
	_ =	sdelay $0x3  }
0x1a0: {  	[tilespmem:s30+$0xA0] =	vst v10  }
0x1a1: {  	v9 =	vld.idx.msk [tilespmem:v9+s10+$0x0], $0xffff;
	_ =	sdelay $0x4  }
0x1a2: {  	s17 =	sadd.s32 $0x1, s17;
	[tilespmem:s30+$0xB0] =	vst v9  }
0x1a3: {  	[hbm4b:s6+s2] =	stream.linear.scatter [tilespmem:s14], [sflag:$0x4], $0x2800, $0x38;
	[tilespmem:$0x14000] =	vst v63  }
0x1a4: {  	p0 =	sne.s32 s17, s7;
	_ =	swait.ge [sflag:s15], $0x2800  }
.Ltmp2:
0x1a5: {  	[sflag:s15] =	ssyncset.done $0x0;
	(pc) =	sbr.rel @p0 .LBB2_1-.Ltmp2, $4  }
0x1a6: {  	[sflag:s15] =	ssyncadd.s32 $0xFFFFD800  }
0x1a7: {  	_ =	swait.ge [sflag:s16], $0x2800  }
0x1a8: {  	[sflag:s16] =	ssyncset.done $0x0  }
0x1a9: {  	[sflag:s16] =	ssyncadd.s32 $0xFFFFD800  }
0x1aa: {  	_ =	sfence.sel $0x180000  }
0x1ab: {  	[bflag:$0x0] =	sbarrier.arrive $0xFFFF  }
0x1ac: {  	p0 =	sne.s32 s0, $0x0;
	_ =	strace $0x90000047  }
0x1ad: {  	s0 =	sadd.s32 @!p0 $0x100000, s1;
	[bflag:$0x2] =	sbarrier.arrive $0xFFFF  }
0x1ae: {  	[sflag:s0] =	ssyncadd.tile.s32 @!p0 $0x1;
	_ =	shalt  }
.Lfunc_end2:
_tile_overlayer_lowered:
.L_overlay_start_2:
0x1af: {  	(tag) =	ssettag $0x2  }
0x1b0: {  	s0 =	rddreg [dreg:$0x0];
	s2 =	stileid.u32  }
0x1b1: {  	s1 =	rddreg [dreg:$0x1];
	p0 =	sne.s32 s2, $0x0  }
0x1b2: {  	s3 =	rddreg [dreg:$0x2];
	[bflag:$0x3] =	sbarrier.arrive $0xFFFF;
	s2 =	simm.s32 @!p0 $0x1C05  }
0x1b3: {  	[timem:s3], [sflag:s2] =	dma.local @!p0 [hbm:s0], s1  }
0x1b4: {  	s0 =	simm.s32 @!p0 $0x5  }
0x1b5: {  	_ =	swait.ge @!p0 [sflag:s0], s1  }
0x1b6: {  	s1 =	ssub.s32 @!p0 $0x0, s1;
	[sflag:s0] =	ssyncset.done @!p0 $0x0  }
0x1b7: {  	[sflag:s0] =	ssyncadd.s32 @!p0 s1  }
0x1b8: {  	[bflag:$0x3] =	sbarrier.arrive $0xFFFF  }
0x1b9: {  	_ =	shalt  }

</sc_bundles>
